<compile_context>
chip_gen: v7x
topology: tpu7x:2x2x1
jax: 0.10.2.dev20260603
libtpu: 0.0.44.dev20260713+nightly
codegen_flags: <defaults>
</compile_context>

<pallas_src>
import functools

import jax
import jax.numpy as jnp
from jax import lax
from jax.experimental import pallas as pl
from jax.experimental.pallas import tpu as pltpu
from jax.experimental.pallas import tpu_sc as plsc

_N = 10000
_E = 320000
_D = 128
_NP = 10240
_NT = 16
_EPT = _E // _NT
_ECH = 4000
_NPT = _NP // _NT
_GCH = 128

_BN = 1000
_NB = _N // _BN

_SC_MESH = plsc.VectorSubcoreMesh(
    core_axis_name="c", subcore_axis_name="s", num_cores=1, num_subcores=_NT)


def _sc_body(src_hbm, dst_hbm, px_hbm, py_hbm, pz_hbm, rr_hbm, ty_hbm,
             feat_hbm,
             bif_hbm, dot_hbm, n12_hbm, mv_hbm, xg1_hbm, xg2_hbm,
             c1_loc, c2_loc, srcb, dstb, pxt, pyt, pzt, rrt,
             tyb, pb1, pb2, mc1, mc2, bifb, dotb, n12b, mvb, rows, rows2,
             sh1, sh2, sem, gsem, tsem):
  tid = lax.axis_index("s")
  nb = tid * _NPT
  neg1 = jnp.full((16,), -1, jnp.int32)

  tcp1 = pltpu.async_copy(px_hbm, pxt, tsem)
  tcp2 = pltpu.async_copy(py_hbm, pyt, tsem)
  tcp3 = pltpu.async_copy(pz_hbm, pzt, tsem)
  tcp4 = pltpu.async_copy(rr_hbm, rrt, tsem)
  tcp5 = pltpu.async_copy(ty_hbm.at[pl.ds(nb, _NPT)], tyb, tsem)

  def init_loop(i, _):
    c1_loc[pl.ds(i * 16, 16)] = neg1
    c2_loc[pl.ds(i * 16, 16)] = neg1
    return 0

  lax.fori_loop(0, _NP // 16, init_loop, 0)

  ebase = tid * _EPT

  def chunk_loop(ci, _):
    off = ebase + ci * _ECH
    pltpu.sync_copy(src_hbm.at[pl.ds(off, _ECH)], srcb)
    pltpu.sync_copy(dst_hbm.at[pl.ds(off, _ECH)], dstb)

    def vec_loop(vi, _):
      sl = pl.ds(vi * 16, 16)
      s = srcb[sl]
      d = dstb[sl]
      occ, _last = plsc.scan_count(s)
      cur1 = plsc.load_gather(c1_loc, [s])
      cur2 = plsc.load_gather(c2_loc, [s])
      e1 = cur1 < 0
      e2 = cur2 < 0
      m1 = e1 & (occ == 1)
      m2 = ((~e1) & e2 & (occ == 1)) | (e1 & (occ == 2))
      plsc.store_scatter(c1_loc, [s], d, mask=m1)
      plsc.store_scatter(c2_loc, [s], d, mask=m2)
      return 0

    lax.fori_loop(0, _ECH // 16, vec_loop, 0)
    return 0

  lax.fori_loop(0, _EPT // _ECH, chunk_loop, 0)

  pltpu.sync_copy(c1_loc, sh1.at[tid])
  pltpu.sync_copy(c2_loc, sh2.at[tid])
  plsc.subcore_barrier()


  def minit(i, _):
    mc1[pl.ds(i * 16, 16)] = neg1
    mc2[pl.ds(i * 16, 16)] = neg1
    return 0

  lax.fori_loop(0, _NPT // 16, minit, 0)

  def tmerge(tp, _):
    pltpu.sync_copy(sh1.at[tp, pl.ds(nb, _NPT)], pb1)
    pltpu.sync_copy(sh2.at[tp, pl.ds(nb, _NPT)], pb2)

    def mvec(vi, _):
      sl = pl.ds(vi * 16, 16)
      a = pb1[sl]
      b = pb2[sl]
      c1v = mc1[sl]
      c2v = mc2[sl]
      mc1[sl] = jnp.where(c1v < 0, a, c1v)
      mc2[sl] = jnp.where(c1v < 0, b, jnp.where(c2v < 0, a, c2v))
      return 0

    lax.fori_loop(0, _NPT // 16, mvec, 0)
    return 0

  lax.fori_loop(0, _NT, tmerge, 0)

  tcp1.wait()
  tcp2.wait()
  tcp3.wait()
  tcp4.wait()
  tcp5.wait()

  def fvec(vi, _):
    sl = pl.ds(vi * 16, 16)
    osl = pl.ds(nb + vi * 16, 16)
    c1v = mc1[sl]
    c2v = mc2[sl]
    tyv = tyb[sl]
    c1f = jnp.maximum(c1v, 0)
    c2f = jnp.where(c2v < 0, c1f, c2v)
    mc1[sl] = c1f
    mc2[sl] = c2f
    bifb[sl] = jnp.where((tyv == 1) & (c2v >= 0), 1.0, 0.0)
    p1x = plsc.load_gather(pxt, [c1f])
    p2x = plsc.load_gather(pxt, [c2f])
    p1y = plsc.load_gather(pyt, [c1f])
    p2y = plsc.load_gather(pyt, [c2f])
    p1z = plsc.load_gather(pzt, [c1f])
    p2z = plsc.load_gather(pzt, [c2f])
    ox = pxt[osl]
    oy = pyt[osl]
    oz = pzt[osl]
    v1x = p1x - ox
    v1y = p1y - oy
    v1z = p1z - oz
    v2x = p2x - ox
    v2y = p2y - oy
    v2z = p2z - oz
    dotb[sl] = v1x * v2x + v1y * v2y + v1z * v2z
    n12b[sl] = ((v1x * v1x + v1y * v1y + v1z * v1z) *
                (v2x * v2x + v2y * v2y + v2z * v2z))
    r1 = plsc.load_gather(rrt, [c1f])
    r2 = plsc.load_gather(rrt, [c2f])
    ro = rrt[osl]
    act = ro * ro * ro
    mvb[sl] = jnp.abs(r1 * r1 * r1 + r2 * r2 * r2 - act) / (act + 1e-12)
    return 0

  lax.fori_loop(0, _NPT // 16, fvec, 0)

  pltpu.sync_copy(bifb, bif_hbm.at[pl.ds(nb, _NPT)])
  pltpu.sync_copy(dotb, dot_hbm.at[pl.ds(nb, _NPT)])
  pltpu.sync_copy(n12b, n12_hbm.at[pl.ds(nb, _NPT)])
  pltpu.sync_copy(mvb, mv_hbm.at[pl.ds(nb, _NPT)])

  nch = _NPT // _GCH
  plans = []
  for ch in range(nch):
    plans.append((mc1, xg1_hbm, ch))
    plans.append((mc2, xg2_hbm, ch))
  bufs = (rows, rows2)
  cps = [None, None]
  for i, (idx_ref, out_hbm, ch) in enumerate(plans):
    b = bufs[i % 2]
    if cps[i % 2] is not None:
      cps[i % 2].wait()
    cps[i % 2] = None
    pltpu.async_copy(
        feat_hbm.at[idx_ref.at[pl.ds(ch * _GCH, _GCH)]], b, gsem).wait()
    cps[i % 2] = pltpu.async_copy(
        b, out_hbm.at[pl.ds(nb + ch * _GCH, _GCH)], sem)
  for c in cps:
    if c is not None:
      c.wait()


_sc_call = pl.kernel(
    _sc_body,
    out_type=[
        jax.ShapeDtypeStruct((_NP,), jnp.float32),
        jax.ShapeDtypeStruct((_NP,), jnp.float32),
        jax.ShapeDtypeStruct((_NP,), jnp.float32),
        jax.ShapeDtypeStruct((_NP,), jnp.float32),
        jax.ShapeDtypeStruct((_NP, _D), jnp.float32),
        jax.ShapeDtypeStruct((_NP, _D), jnp.float32),
    ],
    mesh=_SC_MESH,
    scratch_types=[
        pltpu.VMEM((_NP,), jnp.int32),
        pltpu.VMEM((_NP,), jnp.int32),
        pltpu.VMEM((_ECH,), jnp.int32),
        pltpu.VMEM((_ECH,), jnp.int32),
        pltpu.VMEM((_NP,), jnp.float32),
        pltpu.VMEM((_NP,), jnp.float32),
        pltpu.VMEM((_NP,), jnp.float32),
        pltpu.VMEM((_NP,), jnp.float32),
        pltpu.VMEM((_NPT,), jnp.int32),
        pltpu.VMEM((_NPT,), jnp.int32),
        pltpu.VMEM((_NPT,), jnp.int32),
        pltpu.VMEM((_NPT,), jnp.int32),
        pltpu.VMEM((_NPT,), jnp.int32),
        pltpu.VMEM((_NPT,), jnp.float32),
        pltpu.VMEM((_NPT,), jnp.float32),
        pltpu.VMEM((_NPT,), jnp.float32),
        pltpu.VMEM((_NPT,), jnp.float32),
        pltpu.VMEM((_GCH, _D), jnp.float32),
        pltpu.VMEM((_GCH, _D), jnp.float32),
        pltpu.VMEM_SHARED((_NT, _NP), jnp.int32),
        pltpu.VMEM_SHARED((_NT, _NP), jnp.int32),
        pltpu.SemaphoreType.DMA,
        pltpu.SemaphoreType.DMA,
        pltpu.SemaphoreType.DMA,
    ],
    compiler_params=pltpu.CompilerParams(needs_layout_passes=False),
)


_ACOS_C = (1.5708171339726167, -0.21586769617651358, 0.10738235609240016,
           -0.15901533650606176, 0.34729263730756776, -0.496028713559475,
           0.368623360143272, -0.10906699736254771)
_RAD2DEG = 57.29577951308232


def _acos_deg(x):
  a = jnp.abs(x)
  p = jnp.float32(_ACOS_C[7])
  for k in (6, 5, 4, 3, 2, 1, 0):
    p = p * a + jnp.float32(_ACOS_C[k])
  r = jnp.sqrt(jnp.maximum(1.0 - a, 0.0)) * p
  r = jnp.where(x >= 0, r, jnp.float32(3.141592653589793) - r)
  return r * jnp.float32(_RAD2DEG)


def _tc_body(feat_ref, xg1_ref, xg2_ref, bif_ref, dot_ref, n12_ref, mv_ref,
             wc1a_ref, wc1b_ref, wc1c_ref, bc1_ref, wc2_ref, bc2_ref,
             wr1a_ref, wr1b_ref, wr1c_ref, br1_ref, wr2_ref, br2_ref,
             wr3_ref, br3_ref,
             upd_ref, as_ref, av_ref, mvo_ref, cp_ref):
  x = feat_ref[...]
  xg1 = xg1_ref[...]
  xg2 = xg2_ref[...]
  bif = bif_ref[...]
  dot = dot_ref[...]
  n12 = n12_ref[...]
  mv = mv_ref[...]

  cos = dot / (jnp.sqrt(n12) + 1e-12)
  cos = jnp.clip(cos, -1.0, 1.0)
  ang = _acos_deg(cos)
  in_rng = (ang >= 30.0) & (ang <= 60.0)
  dist = jnp.where(ang < 30.0, 30.0 - ang, ang - 60.0)
  angle_score = jnp.where(in_rng, 1.0, jnp.maximum(0.0, 1.0 - dist / 30.0))
  angle_viol = jnp.where(in_rng, 0.0, 1.0 - angle_score)

  hc = jnp.dot(x, wc1a_ref[...], preferred_element_type=jnp.float32)
  hc += jnp.dot(xg1, wc1b_ref[...], preferred_element_type=jnp.float32)
  hc += jnp.dot(xg2, wc1c_ref[...], preferred_element_type=jnp.float32)
  hc = jnp.maximum(hc + bc1_ref[...], 0.0)
  compliance = jax.nn.sigmoid(
      jnp.sum(hc * wc2_ref[...], axis=1, keepdims=True) + bc2_ref[...])

  hr = jnp.dot(x, wr1a_ref[...], preferred_element_type=jnp.float32)
  hr += jnp.dot(xg1, wr1b_ref[...], preferred_element_type=jnp.float32)
  hr += jnp.dot(xg2, wr1c_ref[...], preferred_element_type=jnp.float32)
  hr = jnp.maximum(hr + br1_ref[...], 0.0)
  hr2 = jnp.maximum(
      jnp.dot(hr, wr2_ref[...], preferred_element_type=jnp.float32)
      + br2_ref[...], 0.0)
  cf = jnp.sum(hr2 * wr3_ref[...], axis=1, keepdims=True) + br3_ref[...]

  needs = (bif > 0.0) & (mv > 0.2)
  corr = cf * jnp.tanh(x)
  upd_ref[...] = x + jnp.where(needs, corr, 0.0)
  as_ref[...] = angle_score * bif
  av_ref[...] = angle_viol * bif
  mvo_ref[...] = mv * bif
  cp_ref[...] = compliance * bif


def _tc_call(featp, xg1, xg2, bifr, dotr, n12r, mvr,
             wc1a, wc1b, wc1c, bc1, wc2, bc2,
             wr1a, wr1b, wr1c, br1, wr2, br2, wr3, br3):
  row = lambda i: (i, 0)
  full = lambda i: (0, 0)
  col = pl.BlockSpec((_BN, 1), row)
  return pl.pallas_call(
      _tc_body,
      grid=(_NB,),
      in_specs=[
          pl.BlockSpec((_BN, _D), row),
          pl.BlockSpec((_BN, _D), row),
          pl.BlockSpec((_BN, _D), row),
          col,
          col,
          col,
          col,
          pl.BlockSpec((_D, 64), full),
          pl.BlockSpec((_D, 64), full),
          pl.BlockSpec((_D, 64), full),
          pl.BlockSpec((1, 64), full),
          pl.BlockSpec((1, 64), full),
          pl.BlockSpec((1, 1), full),
          pl.BlockSpec((_D, 64), full),
          pl.BlockSpec((_D, 64), full),
          pl.BlockSpec((_D, 64), full),
          pl.BlockSpec((1, 64), full),
          pl.BlockSpec((64, 32), full),
          pl.BlockSpec((1, 32), full),
          pl.BlockSpec((1, 32), full),
          pl.BlockSpec((1, 1), full),
      ],
      out_specs=[
          pl.BlockSpec((_BN, _D), row),
          col,
          col,
          col,
          col,
      ],
      out_shape=[
          jax.ShapeDtypeStruct((_N, _D), jnp.float32),
          jax.ShapeDtypeStruct((_N, 1), jnp.float32),
          jax.ShapeDtypeStruct((_N, 1), jnp.float32),
          jax.ShapeDtypeStruct((_N, 1), jnp.float32),
          jax.ShapeDtypeStruct((_N, 1), jnp.float32),
      ],
  )(featp, xg1, xg2, bifr, dotr, n12r, mvr,
    wc1a, wc1b, wc1c, bc1, wc2, bc2,
    wr1a, wr1b, wr1c, br1, wr2, br2, wr3, br3)


def kernel(node_features, edge_index, node_positions, node_radii, node_types,
           Wc1, bc1, Wc2, bc2, Wr1, br1, Wr2, br2, Wr3, br3):
  pad = _NP - _N
  src = edge_index[0]
  dst = edge_index[1]
  px = jnp.pad(node_positions[:, 0], (0, pad))
  py = jnp.pad(node_positions[:, 1], (0, pad))
  pz = jnp.pad(node_positions[:, 2], (0, pad))
  rr = jnp.pad(node_radii, (0, pad))
  ty = jnp.pad(node_types, (0, pad))

  bif, dotv, n12, mv, xg1, xg2 = _sc_call(src, dst, px, py, pz, rr, ty,
                                          node_features)

  shp = (_NP, 1)
  upd, asg, avg, mvg, cpg = _tc_call(
      node_features, xg1, xg2,
      bif.reshape(shp), dotv.reshape(shp), n12.reshape(shp), mv.reshape(shp),
      Wc1[:_D], Wc1[_D:2 * _D], Wc1[2 * _D:], bc1.reshape(1, 64),
      Wc2.reshape(1, 64), bc2.reshape(1, 1),
      Wr1[:_D], Wr1[_D:2 * _D], Wr1[2 * _D:], br1.reshape(1, 64),
      Wr2, br2.reshape(1, 32), Wr3.reshape(1, 32), br3.reshape(1, 1))

  return (upd, asg.reshape(_N), avg.reshape(_N), mvg.reshape(_N),
          cpg.reshape(_N))

# --- scband reference (transcript-rebuilt; emitter-appended) ---
"""Pipeline reference for scband-anatomy-preserver-85856396247187 (READ-ONLY COPY).

The authoritative reference and input builder live on the scoring server;
editing this copy changes nothing except your own understanding.
"""

import jax, jax.numpy as jnp
import numpy as np


def _mlp_compliance(c, Wc1, bc1, Wc2, bc2):
    h = jax.nn.relu(c @ Wc1 + bc1)
    return jax.nn.sigmoid(h @ Wc2 + bc2)


def _mlp_corrector(c, Wr1, br1, Wr2, br2, Wr3, br3):
    h = jax.nn.relu(c @ Wr1 + br1)
    h = jax.nn.relu(h @ Wr2 + br2)
    return h @ Wr3 + br3


def setup_inputs(seed: int = 0) -> dict:
    N, E, D = 10000, 320000, 128
    key = jax.random.key(seed)
    ks = jax.random.split(key, 16)
    s = 0.05
    inp = {}
    inp['node_features'] = jax.random.normal(ks[0], (N, D), dtype=jnp.float32)
    inp['edge_index'] = jax.random.randint(ks[1], (2, E), 0, N, dtype=jnp.int32)
    inp['node_positions'] = jax.random.normal(ks[2], (N, 3), dtype=jnp.float32)
    inp['node_radii'] = jax.random.uniform(ks[3], (N,), dtype=jnp.float32)
    inp['node_types'] = jax.random.randint(ks[4], (N,), 0, 2, dtype=jnp.int32)
    inp['Wc1'] = jax.random.normal(ks[5], (3 * D, 64), dtype=jnp.float32) * s
    inp['bc1'] = jnp.zeros((64,), jnp.float32)
    inp['Wc2'] = jax.random.normal(ks[6], (64, 1), dtype=jnp.float32) * s
    inp['bc2'] = jnp.zeros((1,), jnp.float32)
    inp['Wr1'] = jax.random.normal(ks[7], (3 * D, 64), dtype=jnp.float32) * s
    inp['br1'] = jnp.zeros((64,), jnp.float32)
    inp['Wr2'] = jax.random.normal(ks[8], (64, 32), dtype=jnp.float32) * s
    inp['br2'] = jnp.zeros((32,), jnp.float32)
    inp['Wr3'] = jax.random.normal(ks[9], (32, 1), dtype=jnp.float32) * s
    inp['br3'] = jnp.zeros((1,), jnp.float32)
    return inp


def reference(node_features, edge_index, node_positions, node_radii, node_types,
              Wc1, bc1, Wc2, bc2, Wr1, br1, Wr2, br2, Wr3, br3):
    N, D = node_features.shape
    E = edge_index.shape[1]
    src, dst = edge_index[0], edge_index[1]
    # vectorized neighbor extraction: first two out-neighbors per node
    deg = jnp.bincount(src, length=N)
    order = jnp.argsort(src)
    dst_s = dst[order]
    offsets = jnp.cumsum(deg) - deg
    c1 = dst_s[jnp.clip(offsets, 0, E - 1)]
    c2 = dst_s[jnp.clip(offsets + 1, 0, E - 1)]
    has2 = deg >= 2
    c2 = jnp.where(has2, c2, c1)
    bif = (node_types == 1) & has2
    bf = bif.astype(jnp.float32)
    # --- BranchingAngleModule: geometric angle analysis at bifurcations ---
    v1 = node_positions[c1] - node_positions
    v2 = node_positions[c2] - node_positions
    cosang = jnp.sum(v1 * v2, axis=-1) / (jnp.linalg.norm(v1, axis=-1) * jnp.linalg.norm(v2, axis=-1) + 1e-12)
    ang = jnp.degrees(jnp.arccos(jnp.clip(cosang, -1.0, 1.0)))
    in_rng = (ang >= 30.0) & (ang <= 60.0)
    dist = jnp.where(ang < 30.0, 30.0 - ang, ang - 60.0)
    angle_score = jnp.where(in_rng, 1.0, jnp.maximum(0.0, 1.0 - dist / 30.0))
    angle_viol = jnp.where(in_rng, 0.0, 1.0 - angle_score)
    # --- MurrayLawModule: r_parent^3 = sum r_child^3 enforcement ---
    comb = jnp.concatenate([node_features, node_features[c1], node_features[c2]], axis=-1)
    compliance = _mlp_compliance(comb, Wc1, bc1, Wc2, bc2)[:, 0]
    act = node_radii ** 3
    mv = jnp.abs(node_radii[c1] ** 3 + node_radii[c2] ** 3 - act) / (act + 1e-12)
    needs = bif & (mv > 0.2)
    cf = _mlp_corrector(comb, Wr1, br1, Wr2, br2, Wr3, br3)
    corr = (cf * jnp.tanh(comb))[:, :D]
    updated = node_features + jnp.where(needs[:, None], corr, 0.0)
    return (updated, angle_score * bf, angle_viol * bf, mv * bf, compliance * bf)

if __name__ == "__main__":
    import jax
    _d = setup_inputs()
    print(jax.jit(kernel)(*tuple(_d.values())))

</pallas_src>

<mosaic_0001>
#map = affine_map<(d0, d1) -> (0)>
#map1 = affine_map<(d0, d1) -> (0, 0)>
module attributes {stable_mosaic.version = 14 : i64} {
  func.func @_sc_body(%arg0: i32, %arg1: i32, %arg2: memref<320000xi32, #tpu.memory_space<hbm>>, %arg3: memref<320000xi32, #tpu.memory_space<hbm>>, %arg4: memref<10240xf32, #tpu.memory_space<hbm>>, %arg5: memref<10240xf32, #tpu.memory_space<hbm>>, %arg6: memref<10240xf32, #tpu.memory_space<hbm>>, %arg7: memref<10240xf32, #tpu.memory_space<hbm>>, %arg8: memref<10240xi32, #tpu.memory_space<hbm>>, %arg9: memref<10000x128xf32, #tpu.memory_space<hbm>>, %arg10: memref<10240xf32, #tpu.memory_space<hbm>>, %arg11: memref<10240xf32, #tpu.memory_space<hbm>>, %arg12: memref<10240xf32, #tpu.memory_space<hbm>>, %arg13: memref<10240xf32, #tpu.memory_space<hbm>>, %arg14: memref<10240x128xf32, #tpu.memory_space<hbm>>, %arg15: memref<10240x128xf32, #tpu.memory_space<hbm>>, %arg16: memref<10240xi32, #tpu.memory_space<vmem>>, %arg17: memref<10240xi32, #tpu.memory_space<vmem>>, %arg18: memref<4000xi32, #tpu.memory_space<vmem>>, %arg19: memref<4000xi32, #tpu.memory_space<vmem>>, %arg20: memref<10240xf32, #tpu.memory_space<vmem>>, %arg21: memref<10240xf32, #tpu.memory_space<vmem>>, %arg22: memref<10240xf32, #tpu.memory_space<vmem>>, %arg23: memref<10240xf32, #tpu.memory_space<vmem>>, %arg24: memref<640xi32, #tpu.memory_space<vmem>>, %arg25: memref<640xi32, #tpu.memory_space<vmem>>, %arg26: memref<640xi32, #tpu.memory_space<vmem>>, %arg27: memref<640xi32, #tpu.memory_space<vmem>>, %arg28: memref<640xi32, #tpu.memory_space<vmem>>, %arg29: memref<640xf32, #tpu.memory_space<vmem>>, %arg30: memref<640xf32, #tpu.memory_space<vmem>>, %arg31: memref<640xf32, #tpu.memory_space<vmem>>, %arg32: memref<640xf32, #tpu.memory_space<vmem>>, %arg33: memref<128x128xf32, #tpu.memory_space<vmem>>, %arg34: memref<128x128xf32, #tpu.memory_space<vmem>>, %arg35: memref<16x10240xi32, #tpu.memory_space<vmem_shared>>, %arg36: memref<16x10240xi32, #tpu.memory_space<vmem_shared>>, %arg37: memref<!tpu.dma_semaphore, #tpu.memory_space<semaphore_mem>>, %arg38: memref<!tpu.dma_semaphore, #tpu.memory_space<semaphore_mem>>, %arg39: memref<!tpu.dma_semaphore, #tpu.memory_space<semaphore_mem>>) attributes {dimension_semantics = [#tpu.dimension_semantics<core_parallel>, #tpu.dimension_semantics<subcore_parallel>], iteration_bounds = array<i64: 1, 16>, scalar_prefetch = 0 : i64, scratch_operands = 24 : i64, tpu.core_type = #tpu.core_type<sc_vector_subcore>, window_params = [{transform_indices = #map}, {transform_indices = #map}, {transform_indices = #map}, {transform_indices = #map}, {transform_indices = #map}, {transform_indices = #map}, {transform_indices = #map}, {transform_indices = #map1}, {transform_indices = #map}, {transform_indices = #map}, {transform_indices = #map}, {transform_indices = #map}, {transform_indices = #map1}, {transform_indices = #map1}]} {
    %mul3A = arith.constant 640 : i32
    %mul3A_0 = arith.muli %arg1, %mul3A : i32
    %broadcast_in_dim3A = arith.constant -1 : i32
    %broadcast_in_dim3A_1 = vector.broadcast %broadcast_in_dim3A : i32 to vector<16xi32>
    tpu.enqueue_dma source(%arg4 : memref<10240xf32, #tpu.memory_space<hbm>>) target(%arg20 : memref<10240xf32, #tpu.memory_space<vmem>>) target_semaphore(%arg39 : memref<!tpu.dma_semaphore, #tpu.memory_space<semaphore_mem>>)
    tpu.enqueue_dma source(%arg5 : memref<10240xf32, #tpu.memory_space<hbm>>) target(%arg21 : memref<10240xf32, #tpu.memory_space<vmem>>) target_semaphore(%arg39 : memref<!tpu.dma_semaphore, #tpu.memory_space<semaphore_mem>>)
    tpu.enqueue_dma source(%arg6 : memref<10240xf32, #tpu.memory_space<hbm>>) target(%arg22 : memref<10240xf32, #tpu.memory_space<vmem>>) target_semaphore(%arg39 : memref<!tpu.dma_semaphore, #tpu.memory_space<semaphore_mem>>)
    tpu.enqueue_dma source(%arg7 : memref<10240xf32, #tpu.memory_space<hbm>>) target(%arg23 : memref<10240xf32, #tpu.memory_space<vmem>>) target_semaphore(%arg39 : memref<!tpu.dma_semaphore, #tpu.memory_space<semaphore_mem>>)
    %dma_start3A = tpu.memref_slice %arg8[%mul3A_0] : memref<10240xi32, #tpu.memory_space<hbm>> -> memref<640xi32, #tpu.memory_space<hbm>>
    %dma_start3A_2 = tpu.memref_slice %arg8[%mul3A_0] : memref<10240xi32, #tpu.memory_space<hbm>> -> memref<640xi32, #tpu.memory_space<hbm>>
    tpu.enqueue_dma source(%dma_start3A_2 : memref<640xi32, #tpu.memory_space<hbm>>) target(%arg24 : memref<640xi32, #tpu.memory_space<vmem>>) target_semaphore(%arg39 : memref<!tpu.dma_semaphore, #tpu.memory_space<semaphore_mem>>)
    %scan3A = arith.constant 0 : i32
    %scan3A_3 = arith.constant 0 : i32
    %scan3A_4 = arith.constant 640 : i32
    %scan3A_5 = arith.addi %scan3A_3, %scan3A_4 : i32
    %scan3A_6 = arith.constant 1 : i32
    %scan3A_7 = scf.for %scan3A_239 = %scan3A_3 to %scan3A_5 step %scan3A_6 iter_args(%scan3A_240 = %scan3A) -> (i32)  : i32 {
      %mul3A_241 = arith.constant 16 : i32
      %mul3A_242 = arith.muli %scan3A_239, %mul3A_241 : i32
      %swap3A = arith.index_cast %mul3A_242 : i32 to index
      %swap3A_243 = tpu.vector_load %arg16[%swap3A] {strides = array<i32>} : memref<10240xi32, #tpu.memory_space<vmem>>, vector<16xi32>,
      tpu.vector_store %arg16[%swap3A], %broadcast_in_dim3A_1 {strides = array<i32>} : memref<10240xi32, #tpu.memory_space<vmem>>, vector<16xi32>,
      %mul3A_244 = arith.constant 16 : i32
      %mul3A_245 = arith.muli %scan3A_239, %mul3A_244 : i32
      %swap3A_246 = arith.index_cast %mul3A_245 : i32 to index
      %swap3A_247 = tpu.vector_load %arg17[%swap3A_246] {strides = array<i32>} : memref<10240xi32, #tpu.memory_space<vmem>>, vector<16xi32>,
      tpu.vector_store %arg17[%swap3A_246], %broadcast_in_dim3A_1 {strides = array<i32>} : memref<10240xi32, #tpu.memory_space<vmem>>, vector<16xi32>,
      %scan3A_248 = arith.constant 0 : i32
      scf.yield %scan3A_248 : i32
    }
    %scan3A_8 = arith.constant 640 : i32
    %mul3A_9 = arith.constant 20000 : i32
    %mul3A_10 = arith.muli %arg1, %mul3A_9 : i32
    %scan3A_11 = arith.constant 0 : i32
    %scan3A_12 = arith.constant 0 : i32
    %scan3A_13 = arith.constant 5 : i32
    %scan3A_14 = arith.addi %scan3A_12, %scan3A_13 : i32
    %scan3A_15 = arith.constant 1 : i32
    %scan3A_16 = scf.for %scan3A_239 = %scan3A_12 to %scan3A_14 step %scan3A_15 iter_args(%scan3A_240 = %scan3A_11) -> (i32)  : i32 {
      %mul3A_241 = arith.constant 4000 : i32
      %mul3A_242 = arith.muli %scan3A_239, %mul3A_241 : i32
      %add3A_243 = arith.addi %mul3A_10, %mul3A_242 : i32
      "tpu.region"() ({
        %run_scoped3A = tpu.sem_alloc : memref<!tpu.dma_semaphore, #tpu.memory_space<semaphore_mem>>
        %dma_start3A_252 = tpu.memref_slice %arg2[%add3A_243] : memref<320000xi32, #tpu.memory_space<hbm>> -> memref<4000xi32, #tpu.memory_space<hbm>>
        %dma_start3A_253 = tpu.memref_slice %arg2[%add3A_243] : memref<320000xi32, #tpu.memory_space<hbm>> -> memref<4000xi32, #tpu.memory_space<hbm>>
        tpu.enqueue_dma source(%dma_start3A_253 : memref<4000xi32, #tpu.memory_space<hbm>>) target(%arg18 : memref<4000xi32, #tpu.memory_space<vmem>>) target_semaphore(%run_scoped3A : memref<!tpu.dma_semaphore, #tpu.memory_space<semaphore_mem>>)
        %dma_wait3A_254 = tpu.memref_slice %arg2[%add3A_243] : memref<320000xi32, #tpu.memory_space<hbm>> -> memref<4000xi32, #tpu.memory_space<hbm>>
        %dma_wait3A_255 = tpu.memref_slice %arg2[%add3A_243] : memref<320000xi32, #tpu.memory_space<hbm>> -> memref<4000xi32, #tpu.memory_space<hbm>>
        tpu.wait_dma2 semaphore(%run_scoped3A : memref<!tpu.dma_semaphore, #tpu.memory_space<semaphore_mem>>) src(%dma_wait3A_255 : memref<4000xi32, #tpu.memory_space<hbm>>) dst(%arg18 : memref<4000xi32, #tpu.memory_space<vmem>>)
        tpu.yield
      }) : () -> ()
      "tpu.region"() ({
        %run_scoped3A = tpu.sem_alloc : memref<!tpu.dma_semaphore, #tpu.memory_space<semaphore_mem>>
        %dma_start3A_252 = tpu.memref_slice %arg3[%add3A_243] : memref<320000xi32, #tpu.memory_space<hbm>> -> memref<4000xi32, #tpu.memory_space<hbm>>
        %dma_start3A_253 = tpu.memref_slice %arg3[%add3A_243] : memref<320000xi32, #tpu.memory_space<hbm>> -> memref<4000xi32, #tpu.memory_space<hbm>>
        tpu.enqueue_dma source(%dma_start3A_253 : memref<4000xi32, #tpu.memory_space<hbm>>) target(%arg19 : memref<4000xi32, #tpu.memory_space<vmem>>) target_semaphore(%run_scoped3A : memref<!tpu.dma_semaphore, #tpu.memory_space<semaphore_mem>>)
        %dma_wait3A_254 = tpu.memref_slice %arg3[%add3A_243] : memref<320000xi32, #tpu.memory_space<hbm>> -> memref<4000xi32, #tpu.memory_space<hbm>>
        %dma_wait3A_255 = tpu.memref_slice %arg3[%add3A_243] : memref<320000xi32, #tpu.memory_space<hbm>> -> memref<4000xi32, #tpu.memory_space<hbm>>
        tpu.wait_dma2 semaphore(%run_scoped3A : memref<!tpu.dma_semaphore, #tpu.memory_space<semaphore_mem>>) src(%dma_wait3A_255 : memref<4000xi32, #tpu.memory_space<hbm>>) dst(%arg19 : memref<4000xi32, #tpu.memory_space<vmem>>)
        tpu.yield
      }) : () -> ()
      %scan3A_244 = arith.constant 0 : i32
      %scan3A_245 = arith.constant 0 : i32
      %scan3A_246 = arith.constant 250 : i32
      %scan3A_247 = arith.addi %scan3A_245, %scan3A_246 : i32
      %scan3A_248 = arith.constant 1 : i32
      %scan3A_249 = scf.for %scan3A_252 = %scan3A_245 to %scan3A_247 step %scan3A_248 iter_args(%scan3A_253 = %scan3A_244) -> (i32)  : i32 {
        %mul3A_254 = arith.constant 16 : i32
        %mul3A_255 = arith.muli %scan3A_252, %mul3A_254 : i32
        %get3A = arith.index_cast %mul3A_255 : i32 to index
        %get3A_256 = tpu.vector_load %arg18[%get3A] {strides = array<i32>} : memref<4000xi32, #tpu.memory_space<vmem>>, vector<16xi32>,
        %get3A_257 = arith.index_cast %mul3A_255 : i32 to index
        %get3A_258 = tpu.vector_load %arg19[%get3A_257] {strides = array<i32>} : memref<4000xi32, #tpu.memory_space<vmem>>, vector<16xi32>,
        %broadcast_in_dim3A_259 = arith.constant true
        %broadcast_in_dim3A_260 = vector.broadcast %broadcast_in_dim3A_259 : i1 to vector<16xi1>
        %unique3A, %unique3A_261 = tpu.scan_count mask(%broadcast_in_dim3A_260 : vector<16xi1>) value(%get3A_256 : vector<16xi32>) : vector<16xi1>, vector<16xi32>
        %gather3A = tpu.vector_load_idx %arg16[%get3A_256] : memref<10240xi32, #tpu.memory_space<vmem>>[vector<16xi32>], vector<16xi32>,
        %gather3A_262 = tpu.vector_load_idx %arg17[%get3A_256] : memref<10240xi32, #tpu.memory_space<vmem>>[vector<16xi32>], vector<16xi32>,
        %lt3A = arith.constant 0 : i32
        %lt3A_263 = vector.broadcast %lt3A : i32 to vector<16xi32>
        %lt3A_264 = arith.cmpi slt, %gather3A, %lt3A_263 : vector<16xi32>
        %lt3A_265 = arith.constant 0 : i32
        %lt3A_266 = vector.broadcast %lt3A_265 : i32 to vector<16xi32>
        %lt3A_267 = arith.cmpi slt, %gather3A_262, %lt3A_266 : vector<16xi32>
        %eq3A = arith.constant 1 : i32
        %eq3A_268 = vector.broadcast %eq3A : i32 to vector<16xi32>
        %eq3A_269 = arith.cmpi eq, %unique3A_261, %eq3A_268 : vector<16xi32>
        %and3A = arith.andi %lt3A_264, %eq3A_269 : vector<16xi1>
        %not3A = arith.constant dense<true> : vector<16xi1>
        %not3A_270 = arith.xori %lt3A_264, %not3A : vector<16xi1>
        %and3A_271 = arith.andi %not3A_270, %lt3A_267 : vector<16xi1>
        %eq3A_272 = arith.constant 1 : i32
        %eq3A_273 = vector.broadcast %eq3A_272 : i32 to vector<16xi32>
        %eq3A_274 = arith.cmpi eq, %unique3A_261, %eq3A_273 : vector<16xi32>
        %and3A_275 = arith.andi %and3A_271, %eq3A_274 : vector<16xi1>
        %eq3A_276 = arith.constant 2 : i32
        %eq3A_277 = vector.broadcast %eq3A_276 : i32 to vector<16xi32>
        %eq3A_278 = arith.cmpi eq, %unique3A_261, %eq3A_277 : vector<16xi32>
        %and3A_279 = arith.andi %lt3A_264, %eq3A_278 : vector<16xi1>
        %or3A = arith.ori %and3A_275, %and3A_279 : vector<16xi1>
        tpu.vector_store_idx %arg16[%get3A_256], %get3A_258 masked %and3A : memref<10240xi32, #tpu.memory_space<vmem>>[vector<16xi32>], vector<16xi32>, vector<16xi1>
        tpu.vector_store_idx %arg17[%get3A_256], %get3A_258 masked %or3A : memref<10240xi32, #tpu.memory_space<vmem>>[vector<16xi32>], vector<16xi32>, vector<16xi1>
        %scan3A_280 = arith.constant 0 : i32
        scf.yield %scan3A_280 : i32
      }
      %scan3A_250 = arith.constant 250 : i32
      %scan3A_251 = arith.constant 0 : i32
      scf.yield %scan3A_251 : i32
    }
    %scan3A_17 = arith.constant 5 : i32
    "tpu.region"() ({
      %run_scoped3A = tpu.sem_alloc : memref<!tpu.dma_semaphore, #tpu.memory_space<semaphore_mem>>
      %dma_start3A_239 = arith.constant 0 : i32
      %dma_start3A_240 = tpu.memref_slice %arg35[%arg1, %dma_start3A_239] : memref<16x10240xi32, #tpu.memory_space<vmem_shared>> -> memref<1x10240xi32, #tpu.memory_space<vmem_shared>>
      %dma_start3A_241 = tpu.memref_squeeze %dma_start3A_240 : memref<1x10240xi32, #tpu.memory_space<vmem_shared>> -> memref<10240xi32, #tpu.memory_space<vmem_shared>>
      %dma_start3A_242 = arith.constant 0 : i32
      %dma_start3A_243 = tpu.memref_slice %arg35[%arg1, %dma_start3A_242] : memref<16x10240xi32, #tpu.memory_space<vmem_shared>> -> memref<1x10240xi32, #tpu.memory_space<vmem_shared>>
      %dma_start3A_244 = tpu.memref_squeeze %dma_start3A_243 : memref<1x10240xi32, #tpu.memory_space<vmem_shared>> -> memref<10240xi32, #tpu.memory_space<vmem_shared>>
      tpu.enqueue_dma source(%arg16 : memref<10240xi32, #tpu.memory_space<vmem>>) target(%dma_start3A_244 : memref<10240xi32, #tpu.memory_space<vmem_shared>>) target_semaphore(%run_scoped3A : memref<!tpu.dma_semaphore, #tpu.memory_space<semaphore_mem>>)
      %dma_wait3A_245 = arith.constant 0 : i32
      %dma_wait3A_246 = tpu.memref_slice %arg35[%arg1, %dma_wait3A_245] : memref<16x10240xi32, #tpu.memory_space<vmem_shared>> -> memref<1x10240xi32, #tpu.memory_space<vmem_shared>>
      %dma_wait3A_247 = tpu.memref_squeeze %dma_wait3A_246 : memref<1x10240xi32, #tpu.memory_space<vmem_shared>> -> memref<10240xi32, #tpu.memory_space<vmem_shared>>
      %dma_wait3A_248 = arith.constant 0 : i32
      %dma_wait3A_249 = tpu.memref_slice %arg35[%arg1, %dma_wait3A_248] : memref<16x10240xi32, #tpu.memory_space<vmem_shared>> -> memref<1x10240xi32, #tpu.memory_space<vmem_shared>>
      %dma_wait3A_250 = tpu.memref_squeeze %dma_wait3A_249 : memref<1x10240xi32, #tpu.memory_space<vmem_shared>> -> memref<10240xi32, #tpu.memory_space<vmem_shared>>
      tpu.wait_dma2 semaphore(%run_scoped3A : memref<!tpu.dma_semaphore, #tpu.memory_space<semaphore_mem>>) src(%arg16 : memref<10240xi32, #tpu.memory_space<vmem>>) dst(%dma_wait3A_250 : memref<10240xi32, #tpu.memory_space<vmem_shared>>)
      tpu.yield
    }) : () -> ()
    "tpu.region"() ({
      %run_scoped3A = tpu.sem_alloc : memref<!tpu.dma_semaphore, #tpu.memory_space<semaphore_mem>>
      %dma_start3A_239 = arith.constant 0 : i32
      %dma_start3A_240 = tpu.memref_slice %arg36[%arg1, %dma_start3A_239] : memref<16x10240xi32, #tpu.memory_space<vmem_shared>> -> memref<1x10240xi32, #tpu.memory_space<vmem_shared>>
      %dma_start3A_241 = tpu.memref_squeeze %dma_start3A_240 : memref<1x10240xi32, #tpu.memory_space<vmem_shared>> -> memref<10240xi32, #tpu.memory_space<vmem_shared>>
      %dma_start3A_242 = arith.constant 0 : i32
      %dma_start3A_243 = tpu.memref_slice %arg36[%arg1, %dma_start3A_242] : memref<16x10240xi32, #tpu.memory_space<vmem_shared>> -> memref<1x10240xi32, #tpu.memory_space<vmem_shared>>
      %dma_start3A_244 = tpu.memref_squeeze %dma_start3A_243 : memref<1x10240xi32, #tpu.memory_space<vmem_shared>> -> memref<10240xi32, #tpu.memory_space<vmem_shared>>
      tpu.enqueue_dma source(%arg17 : memref<10240xi32, #tpu.memory_space<vmem>>) target(%dma_start3A_244 : memref<10240xi32, #tpu.memory_space<vmem_shared>>) target_semaphore(%run_scoped3A : memref<!tpu.dma_semaphore, #tpu.memory_space<semaphore_mem>>)
      %dma_wait3A_245 = arith.constant 0 : i32
      %dma_wait3A_246 = tpu.memref_slice %arg36[%arg1, %dma_wait3A_245] : memref<16x10240xi32, #tpu.memory_space<vmem_shared>> -> memref<1x10240xi32, #tpu.memory_space<vmem_shared>>
      %dma_wait3A_247 = tpu.memref_squeeze %dma_wait3A_246 : memref<1x10240xi32, #tpu.memory_space<vmem_shared>> -> memref<10240xi32, #tpu.memory_space<vmem_shared>>
      %dma_wait3A_248 = arith.constant 0 : i32
      %dma_wait3A_249 = tpu.memref_slice %arg36[%arg1, %dma_wait3A_248] : memref<16x10240xi32, #tpu.memory_space<vmem_shared>> -> memref<1x10240xi32, #tpu.memory_space<vmem_shared>>
      %dma_wait3A_250 = tpu.memref_squeeze %dma_wait3A_249 : memref<1x10240xi32, #tpu.memory_space<vmem_shared>> -> memref<10240xi32, #tpu.memory_space<vmem_shared>>
      tpu.wait_dma2 semaphore(%run_scoped3A : memref<!tpu.dma_semaphore, #tpu.memory_space<semaphore_mem>>) src(%arg17 : memref<10240xi32, #tpu.memory_space<vmem>>) dst(%dma_wait3A_250 : memref<10240xi32, #tpu.memory_space<vmem_shared>>)
      tpu.yield
    }) : () -> ()
    %barrier3A = arith.constant 0 : index
    tpu.barrier barrier_id(%barrier3A)
    %scan3A_18 = arith.constant 0 : i32
    %scan3A_19 = arith.constant 0 : i32
    %scan3A_20 = arith.constant 40 : i32
    %scan3A_21 = arith.addi %scan3A_19, %scan3A_20 : i32
    %scan3A_22 = arith.constant 1 : i32
    %scan3A_23 = scf.for %scan3A_239 = %scan3A_19 to %scan3A_21 step %scan3A_22 iter_args(%scan3A_240 = %scan3A_18) -> (i32)  : i32 {
      %mul3A_241 = arith.constant 16 : i32
      %mul3A_242 = arith.muli %scan3A_239, %mul3A_241 : i32
      %swap3A = arith.index_cast %mul3A_242 : i32 to index
      %swap3A_243 = tpu.vector_load %arg27[%swap3A] {strides = array<i32>} : memref<640xi32, #tpu.memory_space<vmem>>, vector<16xi32>,
      tpu.vector_store %arg27[%swap3A], %broadcast_in_dim3A_1 {strides = array<i32>} : memref<640xi32, #tpu.memory_space<vmem>>, vector<16xi32>,
      %mul3A_244 = arith.constant 16 : i32
      %mul3A_245 = arith.muli %scan3A_239, %mul3A_244 : i32
      %swap3A_246 = arith.index_cast %mul3A_245 : i32 to index
      %swap3A_247 = tpu.vector_load %arg28[%swap3A_246] {strides = array<i32>} : memref<640xi32, #tpu.memory_space<vmem>>, vector<16xi32>,
      tpu.vector_store %arg28[%swap3A_246], %broadcast_in_dim3A_1 {strides = array<i32>} : memref<640xi32, #tpu.memory_space<vmem>>, vector<16xi32>,
      %scan3A_248 = arith.constant 0 : i32
      scf.yield %scan3A_248 : i32
    }
    %scan3A_24 = arith.constant 40 : i32
    %scan3A_25 = arith.constant 0 : i32
    %scan3A_26 = arith.constant 0 : i32
    %scan3A_27 = arith.constant 16 : i32
    %scan3A_28 = arith.addi %scan3A_26, %scan3A_27 : i32
    %scan3A_29 = arith.constant 1 : i32
    %scan3A_30 = scf.for %scan3A_239 = %scan3A_26 to %scan3A_28 step %scan3A_29 iter_args(%scan3A_240 = %scan3A_25) -> (i32)  : i32 {
      "tpu.region"() ({
        %run_scoped3A = tpu.sem_alloc : memref<!tpu.dma_semaphore, #tpu.memory_space<semaphore_mem>>
        %dma_start3A_249 = tpu.memref_slice %arg35[%scan3A_239, %mul3A_0] : memref<16x10240xi32, #tpu.memory_space<vmem_shared>> -> memref<1x640xi32, #tpu.memory_space<vmem_shared>>
        %dma_start3A_250 = tpu.memref_squeeze %dma_start3A_249 : memref<1x640xi32, #tpu.memory_space<vmem_shared>> -> memref<640xi32, #tpu.memory_space<vmem_shared>>
        %dma_start3A_251 = tpu.memref_slice %arg35[%scan3A_239, %mul3A_0] : memref<16x10240xi32, #tpu.memory_space<vmem_shared>> -> memref<1x640xi32, #tpu.memory_space<vmem_shared>>
        %dma_start3A_252 = tpu.memref_squeeze %dma_start3A_251 : memref<1x640xi32, #tpu.memory_space<vmem_shared>> -> memref<640xi32, #tpu.memory_space<vmem_shared>>
        tpu.enqueue_dma source(%dma_start3A_252 : memref<640xi32, #tpu.memory_space<vmem_shared>>) target(%arg25 : memref<640xi32, #tpu.memory_space<vmem>>) target_semaphore(%run_scoped3A : memref<!tpu.dma_semaphore, #tpu.memory_space<semaphore_mem>>)
        %dma_wait3A_253 = tpu.memref_slice %arg35[%scan3A_239, %mul3A_0] : memref<16x10240xi32, #tpu.memory_space<vmem_shared>> -> memref<1x640xi32, #tpu.memory_space<vmem_shared>>
        %dma_wait3A_254 = tpu.memref_squeeze %dma_wait3A_253 : memref<1x640xi32, #tpu.memory_space<vmem_shared>> -> memref<640xi32, #tpu.memory_space<vmem_shared>>
        %dma_wait3A_255 = tpu.memref_slice %arg35[%scan3A_239, %mul3A_0] : memref<16x10240xi32, #tpu.memory_space<vmem_shared>> -> memref<1x640xi32, #tpu.memory_space<vmem_shared>>
        %dma_wait3A_256 = tpu.memref_squeeze %dma_wait3A_255 : memref<1x640xi32, #tpu.memory_space<vmem_shared>> -> memref<640xi32, #tpu.memory_space<vmem_shared>>
        tpu.wait_dma2 semaphore(%run_scoped3A : memref<!tpu.dma_semaphore, #tpu.memory_space<semaphore_mem>>) src(%dma_wait3A_256 : memref<640xi32, #tpu.memory_space<vmem_shared>>) dst(%arg25 : memref<640xi32, #tpu.memory_space<vmem>>)
        tpu.yield
      }) : () -> ()
      "tpu.region"() ({
        %run_scoped3A = tpu.sem_alloc : memref<!tpu.dma_semaphore, #tpu.memory_space<semaphore_mem>>
        %dma_start3A_249 = tpu.memref_slice %arg36[%scan3A_239, %mul3A_0] : memref<16x10240xi32, #tpu.memory_space<vmem_shared>> -> memref<1x640xi32, #tpu.memory_space<vmem_shared>>
        %dma_start3A_250 = tpu.memref_squeeze %dma_start3A_249 : memref<1x640xi32, #tpu.memory_space<vmem_shared>> -> memref<640xi32, #tpu.memory_space<vmem_shared>>
        %dma_start3A_251 = tpu.memref_slice %arg36[%scan3A_239, %mul3A_0] : memref<16x10240xi32, #tpu.memory_space<vmem_shared>> -> memref<1x640xi32, #tpu.memory_space<vmem_shared>>
        %dma_start3A_252 = tpu.memref_squeeze %dma_start3A_251 : memref<1x640xi32, #tpu.memory_space<vmem_shared>> -> memref<640xi32, #tpu.memory_space<vmem_shared>>
        tpu.enqueue_dma source(%dma_start3A_252 : memref<640xi32, #tpu.memory_space<vmem_shared>>) target(%arg26 : memref<640xi32, #tpu.memory_space<vmem>>) target_semaphore(%run_scoped3A : memref<!tpu.dma_semaphore, #tpu.memory_space<semaphore_mem>>)
        %dma_wait3A_253 = tpu.memref_slice %arg36[%scan3A_239, %mul3A_0] : memref<16x10240xi32, #tpu.memory_space<vmem_shared>> -> memref<1x640xi32, #tpu.memory_space<vmem_shared>>
        %dma_wait3A_254 = tpu.memref_squeeze %dma_wait3A_253 : memref<1x640xi32, #tpu.memory_space<vmem_shared>> -> memref<640xi32, #tpu.memory_space<vmem_shared>>
        %dma_wait3A_255 = tpu.memref_slice %arg36[%scan3A_239, %mul3A_0] : memref<16x10240xi32, #tpu.memory_space<vmem_shared>> -> memref<1x640xi32, #tpu.memory_space<vmem_shared>>
        %dma_wait3A_256 = tpu.memref_squeeze %dma_wait3A_255 : memref<1x640xi32, #tpu.memory_space<vmem_shared>> -> memref<640xi32, #tpu.memory_space<vmem_shared>>
        tpu.wait_dma2 semaphore(%run_scoped3A : memref<!tpu.dma_semaphore, #tpu.memory_space<semaphore_mem>>) src(%dma_wait3A_256 : memref<640xi32, #tpu.memory_space<vmem_shared>>) dst(%arg26 : memref<640xi32, #tpu.memory_space<vmem>>)
        tpu.yield
      }) : () -> ()
      %scan3A_241 = arith.constant 0 : i32
      %scan3A_242 = arith.constant 0 : i32
      %scan3A_243 = arith.constant 40 : i32
      %scan3A_244 = arith.addi %scan3A_242, %scan3A_243 : i32
      %scan3A_245 = arith.constant 1 : i32
      %scan3A_246 = scf.for %scan3A_249 = %scan3A_242 to %scan3A_244 step %scan3A_245 iter_args(%scan3A_250 = %scan3A_241) -> (i32)  : i32 {
        %mul3A_251 = arith.constant 16 : i32
        %mul3A_252 = arith.muli %scan3A_249, %mul3A_251 : i32
        %get3A = arith.index_cast %mul3A_252 : i32 to index
        %get3A_253 = tpu.vector_load %arg25[%get3A] {strides = array<i32>} : memref<640xi32, #tpu.memory_space<vmem>>, vector<16xi32>,
        %get3A_254 = arith.index_cast %mul3A_252 : i32 to index
        %get3A_255 = tpu.vector_load %arg26[%get3A_254] {strides = array<i32>} : memref<640xi32, #tpu.memory_space<vmem>>, vector<16xi32>,
        %get3A_256 = arith.index_cast %mul3A_252 : i32 to index
        %get3A_257 = tpu.vector_load %arg27[%get3A_256] {strides = array<i32>} : memref<640xi32, #tpu.memory_space<vmem>>, vector<16xi32>,
        %get3A_258 = arith.index_cast %mul3A_252 : i32 to index
        %get3A_259 = tpu.vector_load %arg28[%get3A_258] {strides = array<i32>} : memref<640xi32, #tpu.memory_space<vmem>>, vector<16xi32>,
        %lt3A = arith.constant 0 : i32
        %lt3A_260 = vector.broadcast %lt3A : i32 to vector<16xi32>
        %lt3A_261 = arith.cmpi slt, %get3A_257, %lt3A_260 : vector<16xi32>
        %select_n3A = arith.select %lt3A_261, %get3A_253, %get3A_257 : vector<16xi1>, vector<16xi32>
        %swap3A = arith.index_cast %mul3A_252 : i32 to index
        %swap3A_262 = tpu.vector_load %arg27[%swap3A] {strides = array<i32>} : memref<640xi32, #tpu.memory_space<vmem>>, vector<16xi32>,
        tpu.vector_store %arg27[%swap3A], %select_n3A {strides = array<i32>} : memref<640xi32, #tpu.memory_space<vmem>>, vector<16xi32>,
        %lt3A_263 = arith.constant 0 : i32
        %lt3A_264 = vector.broadcast %lt3A_263 : i32 to vector<16xi32>
        %lt3A_265 = arith.cmpi slt, %get3A_257, %lt3A_264 : vector<16xi32>
        %lt3A_266 = arith.constant 0 : i32
        %lt3A_267 = vector.broadcast %lt3A_266 : i32 to vector<16xi32>
        %lt3A_268 = arith.cmpi slt, %get3A_259, %lt3A_267 : vector<16xi32>
        %select_n3A_269 = arith.select %lt3A_268, %get3A_253, %get3A_259 : vector<16xi1>, vector<16xi32>
        %select_n3A_270 = arith.select %lt3A_265, %get3A_255, %select_n3A_269 : vector<16xi1>, vector<16xi32>
        %swap3A_271 = arith.index_cast %mul3A_252 : i32 to index
        %swap3A_272 = tpu.vector_load %arg28[%swap3A_271] {strides = array<i32>} : memref<640xi32, #tpu.memory_space<vmem>>, vector<16xi32>,
        tpu.vector_store %arg28[%swap3A_271], %select_n3A_270 {strides = array<i32>} : memref<640xi32, #tpu.memory_space<vmem>>, vector<16xi32>,
        %scan3A_273 = arith.constant 0 : i32
        scf.yield %scan3A_273 : i32
      }
      %scan3A_247 = arith.constant 40 : i32
      %scan3A_248 = arith.constant 0 : i32
      scf.yield %scan3A_248 : i32
    }
    %scan3A_31 = arith.constant 16 : i32
    tpu.wait_dma2 semaphore(%arg39 : memref<!tpu.dma_semaphore, #tpu.memory_space<semaphore_mem>>) src(%arg4 : memref<10240xf32, #tpu.memory_space<hbm>>) dst(%arg20 : memref<10240xf32, #tpu.memory_space<vmem>>)
    tpu.wait_dma2 semaphore(%arg39 : memref<!tpu.dma_semaphore, #tpu.memory_space<semaphore_mem>>) src(%arg5 : memref<10240xf32, #tpu.memory_space<hbm>>) dst(%arg21 : memref<10240xf32, #tpu.memory_space<vmem>>)
    tpu.wait_dma2 semaphore(%arg39 : memref<!tpu.dma_semaphore, #tpu.memory_space<semaphore_mem>>) src(%arg6 : memref<10240xf32, #tpu.memory_space<hbm>>) dst(%arg22 : memref<10240xf32, #tpu.memory_space<vmem>>)
    tpu.wait_dma2 semaphore(%arg39 : memref<!tpu.dma_semaphore, #tpu.memory_space<semaphore_mem>>) src(%arg7 : memref<10240xf32, #tpu.memory_space<hbm>>) dst(%arg23 : memref<10240xf32, #tpu.memory_space<vmem>>)
    %dma_wait3A = tpu.memref_slice %arg8[%mul3A_0] : memref<10240xi32, #tpu.memory_space<hbm>> -> memref<640xi32, #tpu.memory_space<hbm>>
    %dma_wait3A_32 = tpu.memref_slice %arg8[%mul3A_0] : memref<10240xi32, #tpu.memory_space<hbm>> -> memref<640xi32, #tpu.memory_space<hbm>>
    tpu.wait_dma2 semaphore(%arg39 : memref<!tpu.dma_semaphore, #tpu.memory_space<semaphore_mem>>) src(%dma_wait3A_32 : memref<640xi32, #tpu.memory_space<hbm>>) dst(%arg24 : memref<640xi32, #tpu.memory_space<vmem>>)
    %scan3A_33 = arith.constant 0 : i32
    %scan3A_34 = arith.constant 0 : i32
    %scan3A_35 = arith.constant 40 : i32
    %scan3A_36 = arith.addi %scan3A_34, %scan3A_35 : i32
    %scan3A_37 = arith.constant 1 : i32
    %scan3A_38 = scf.for %scan3A_239 = %scan3A_34 to %scan3A_36 step %scan3A_37 iter_args(%scan3A_240 = %scan3A_33) -> (i32)  : i32 {
      %mul3A_241 = arith.constant 16 : i32
      %mul3A_242 = arith.muli %scan3A_239, %mul3A_241 : i32
      %mul3A_243 = arith.constant 16 : i32
      %mul3A_244 = arith.muli %scan3A_239, %mul3A_243 : i32
      %add3A_245 = arith.addi %mul3A_0, %mul3A_244 : i32
      %get3A = arith.index_cast %mul3A_242 : i32 to index
      %get3A_246 = tpu.vector_load %arg27[%get3A] {strides = array<i32>} : memref<640xi32, #tpu.memory_space<vmem>>, vector<16xi32>,
      %get3A_247 = arith.index_cast %mul3A_242 : i32 to index
      %get3A_248 = tpu.vector_load %arg28[%get3A_247] {strides = array<i32>} : memref<640xi32, #tpu.memory_space<vmem>>, vector<16xi32>,
      %get3A_249 = arith.index_cast %mul3A_242 : i32 to index
      %get3A_250 = tpu.vector_load %arg24[%get3A_249] {strides = array<i32>} : memref<640xi32, #tpu.memory_space<vmem>>, vector<16xi32>,
      %max3A = arith.constant 0 : i32
      %max3A_251 = vector.broadcast %max3A : i32 to vector<16xi32>
      %max3A_252 = arith.maxsi %get3A_246, %max3A_251 : vector<16xi32>
      %lt3A = arith.constant 0 : i32
      %lt3A_253 = vector.broadcast %lt3A : i32 to vector<16xi32>
      %lt3A_254 = arith.cmpi slt, %get3A_248, %lt3A_253 : vector<16xi32>
      %select_n3A = arith.select %lt3A_254, %max3A_252, %get3A_248 : vector<16xi1>, vector<16xi32>
      %swap3A = arith.index_cast %mul3A_242 : i32 to index
      %swap3A_255 = tpu.vector_load %arg27[%swap3A] {strides = array<i32>} : memref<640xi32, #tpu.memory_space<vmem>>, vector<16xi32>,
      tpu.vector_store %arg27[%swap3A], %max3A_252 {strides = array<i32>} : memref<640xi32, #tpu.memory_space<vmem>>, vector<16xi32>,
      %swap3A_256 = arith.index_cast %mul3A_242 : i32 to index
      %swap3A_257 = tpu.vector_load %arg28[%swap3A_256] {strides = array<i32>} : memref<640xi32, #tpu.memory_space<vmem>>, vector<16xi32>,
      tpu.vector_store %arg28[%swap3A_256], %select_n3A {strides = array<i32>} : memref<640xi32, #tpu.memory_space<vmem>>, vector<16xi32>,
      %eq3A = arith.constant 1 : i32
      %eq3A_258 = vector.broadcast %eq3A : i32 to vector<16xi32>
      %eq3A_259 = arith.cmpi eq, %get3A_250, %eq3A_258 : vector<16xi32>
      %ge3A = arith.constant 0 : i32
      %ge3A_260 = vector.broadcast %ge3A : i32 to vector<16xi32>
      %ge3A_261 = arith.cmpi sge, %get3A_248, %ge3A_260 : vector<16xi32>
      %and3A = arith.andi %eq3A_259, %ge3A_261 : vector<16xi1>
      %jit3A = arith.constant 1.000000e+00 : f32
      %jit3A_262 = arith.constant 0.000000e+00 : f32
      %broadcast_in_dim3A_263 = vector.broadcast %jit3A : f32 to vector<16xf32>
      %broadcast_in_dim3A_264 = vector.broadcast %jit3A_262 : f32 to vector<16xf32>
      %select_n3A_265 = arith.select %and3A, %broadcast_in_dim3A_263, %broadcast_in_dim3A_264 : vector<16xi1>, vector<16xf32>
      %swap3A_266 = arith.index_cast %mul3A_242 : i32 to index
      %swap3A_267 = tpu.vector_load %arg29[%swap3A_266] {strides = array<i32>} : memref<640xf32, #tpu.memory_space<vmem>>, vector<16xf32>,
      tpu.vector_store %arg29[%swap3A_266], %select_n3A_265 {strides = array<i32>} : memref<640xf32, #tpu.memory_space<vmem>>, vector<16xf32>,
      %gather3A = tpu.vector_load_idx %arg20[%max3A_252] : memref<10240xf32, #tpu.memory_space<vmem>>[vector<16xi32>], vector<16xf32>,
      %gather3A_268 = tpu.vector_load_idx %arg20[%select_n3A] : memref<10240xf32, #tpu.memory_space<vmem>>[vector<16xi32>], vector<16xf32>,
      %gather3A_269 = tpu.vector_load_idx %arg21[%max3A_252] : memref<10240xf32, #tpu.memory_space<vmem>>[vector<16xi32>], vector<16xf32>,
      %gather3A_270 = tpu.vector_load_idx %arg21[%select_n3A] : memref<10240xf32, #tpu.memory_space<vmem>>[vector<16xi32>], vector<16xf32>,
      %gather3A_271 = tpu.vector_load_idx %arg22[%max3A_252] : memref<10240xf32, #tpu.memory_space<vmem>>[vector<16xi32>], vector<16xf32>,
      %gather3A_272 = tpu.vector_load_idx %arg22[%select_n3A] : memref<10240xf32, #tpu.memory_space<vmem>>[vector<16xi32>], vector<16xf32>,
      %get3A_273 = arith.index_cast %add3A_245 : i32 to index
      %get3A_274 = tpu.vector_load %arg20[%get3A_273] {strides = array<i32>} : memref<10240xf32, #tpu.memory_space<vmem>>, vector<16xf32>,
      %get3A_275 = arith.index_cast %add3A_245 : i32 to index
      %get3A_276 = tpu.vector_load %arg21[%get3A_275] {strides = array<i32>} : memref<10240xf32, #tpu.memory_space<vmem>>, vector<16xf32>,
      %get3A_277 = arith.index_cast %add3A_245 : i32 to index
      %get3A_278 = tpu.vector_load %arg22[%get3A_277] {strides = array<i32>} : memref<10240xf32, #tpu.memory_space<vmem>>, vector<16xf32>,
      %sub3A = arith.subf %gather3A, %get3A_274 : vector<16xf32>
      %sub3A_279 = arith.subf %gather3A_269, %get3A_276 : vector<16xf32>
      %sub3A_280 = arith.subf %gather3A_271, %get3A_278 : vector<16xf32>
      %sub3A_281 = arith.subf %gather3A_268, %get3A_274 : vector<16xf32>
      %sub3A_282 = arith.subf %gather3A_270, %get3A_276 : vector<16xf32>
      %sub3A_283 = arith.subf %gather3A_272, %get3A_278 : vector<16xf32>
      %mul3A_284 = arith.mulf %sub3A, %sub3A_281 : vector<16xf32>
      %mul3A_285 = arith.mulf %sub3A_279, %sub3A_282 : vector<16xf32>
      %add3A_286 = arith.addf %mul3A_284, %mul3A_285 : vector<16xf32>
      %mul3A_287 = arith.mulf %sub3A_280, %sub3A_283 : vector<16xf32>
      %add3A_288 = arith.addf %add3A_286, %mul3A_287 : vector<16xf32>
      %swap3A_289 = arith.index_cast %mul3A_242 : i32 to index
      %swap3A_290 = tpu.vector_load %arg30[%swap3A_289] {strides = array<i32>} : memref<640xf32, #tpu.memory_space<vmem>>, vector<16xf32>,
      tpu.vector_store %arg30[%swap3A_289], %add3A_288 {strides = array<i32>} : memref<640xf32, #tpu.memory_space<vmem>>, vector<16xf32>,
      %mul3A_291 = arith.mulf %sub3A, %sub3A : vector<16xf32>
      %mul3A_292 = arith.mulf %sub3A_279, %sub3A_279 : vector<16xf32>
      %add3A_293 = arith.addf %mul3A_291, %mul3A_292 : vector<16xf32>
      %mul3A_294 = arith.mulf %sub3A_280, %sub3A_280 : vector<16xf32>
      %add3A_295 = arith.addf %add3A_293, %mul3A_294 : vector<16xf32>
      %mul3A_296 = arith.mulf %sub3A_281, %sub3A_281 : vector<16xf32>
      %mul3A_297 = arith.mulf %sub3A_282, %sub3A_282 : vector<16xf32>
      %add3A_298 = arith.addf %mul3A_296, %mul3A_297 : vector<16xf32>
      %mul3A_299 = arith.mulf %sub3A_283, %sub3A_283 : vector<16xf32>
      %add3A_300 = arith.addf %add3A_298, %mul3A_299 : vector<16xf32>
      %mul3A_301 = arith.mulf %add3A_295, %add3A_300 : vector<16xf32>
      %swap3A_302 = arith.index_cast %mul3A_242 : i32 to index
      %swap3A_303 = tpu.vector_load %arg31[%swap3A_302] {strides = array<i32>} : memref<640xf32, #tpu.memory_space<vmem>>, vector<16xf32>,
      tpu.vector_store %arg31[%swap3A_302], %mul3A_301 {strides = array<i32>} : memref<640xf32, #tpu.memory_space<vmem>>, vector<16xf32>,
      %gather3A_304 = tpu.vector_load_idx %arg23[%max3A_252] : memref<10240xf32, #tpu.memory_space<vmem>>[vector<16xi32>], vector<16xf32>,
      %gather3A_305 = tpu.vector_load_idx %arg23[%select_n3A] : memref<10240xf32, #tpu.memory_space<vmem>>[vector<16xi32>], vector<16xf32>,
      %get3A_306 = arith.index_cast %add3A_245 : i32 to index
      %get3A_307 = tpu.vector_load %arg23[%get3A_306] {strides = array<i32>} : memref<10240xf32, #tpu.memory_space<vmem>>, vector<16xf32>,
      %mul3A_308 = arith.mulf %get3A_307, %get3A_307 : vector<16xf32>
      %mul3A_309 = arith.mulf %mul3A_308, %get3A_307 : vector<16xf32>
      %mul3A_310 = arith.mulf %gather3A_304, %gather3A_304 : vector<16xf32>
      %mul3A_311 = arith.mulf %mul3A_310, %gather3A_304 : vector<16xf32>
      %mul3A_312 = arith.mulf %gather3A_305, %gather3A_305 : vector<16xf32>
      %mul3A_313 = arith.mulf %mul3A_312, %gather3A_305 : vector<16xf32>
      %add3A_314 = arith.addf %mul3A_311, %mul3A_313 : vector<16xf32>
      %sub3A_315 = arith.subf %add3A_314, %mul3A_309 : vector<16xf32>
      %abs3A = math.absf %sub3A_315 : vector<16xf32>
      %add3A_316 = arith.constant 9.99999996E-13 : f32
      %add3A_317 = vector.broadcast %add3A_316 : f32 to vector<16xf32>
      %add3A_318 = arith.addf %mul3A_309, %add3A_317 : vector<16xf32>
      %div3A = arith.divf %abs3A, %add3A_318 : vector<16xf32>
      %swap3A_319 = arith.index_cast %mul3A_242 : i32 to index
      %swap3A_320 = tpu.vector_load %arg32[%swap3A_319] {strides = array<i32>} : memref<640xf32, #tpu.memory_space<vmem>>, vector<16xf32>,
      tpu.vector_store %arg32[%swap3A_319], %div3A {strides = array<i32>} : memref<640xf32, #tpu.memory_space<vmem>>, vector<16xf32>,
      %scan3A_321 = arith.constant 0 : i32
      scf.yield %scan3A_321 : i32
    }
    %scan3A_39 = arith.constant 40 : i32
    "tpu.region"() ({
      %run_scoped3A = tpu.sem_alloc : memref<!tpu.dma_semaphore, #tpu.memory_space<semaphore_mem>>
      %dma_start3A_239 = tpu.memref_slice %arg10[%mul3A_0] : memref<10240xf32, #tpu.memory_space<hbm>> -> memref<640xf32, #tpu.memory_space<hbm>>
      %dma_start3A_240 = tpu.memref_slice %arg10[%mul3A_0] : memref<10240xf32, #tpu.memory_space<hbm>> -> memref<640xf32, #tpu.memory_space<hbm>>
      tpu.enqueue_dma source(%arg29 : memref<640xf32, #tpu.memory_space<vmem>>) target(%dma_start3A_240 : memref<640xf32, #tpu.memory_space<hbm>>) target_semaphore(%run_scoped3A : memref<!tpu.dma_semaphore, #tpu.memory_space<semaphore_mem>>)
      %dma_wait3A_241 = tpu.memref_slice %arg10[%mul3A_0] : memref<10240xf32, #tpu.memory_space<hbm>> -> memref<640xf32, #tpu.memory_space<hbm>>
      %dma_wait3A_242 = tpu.memref_slice %arg10[%mul3A_0] : memref<10240xf32, #tpu.memory_space<hbm>> -> memref<640xf32, #tpu.memory_space<hbm>>
      tpu.wait_dma2 semaphore(%run_scoped3A : memref<!tpu.dma_semaphore, #tpu.memory_space<semaphore_mem>>) src(%arg29 : memref<640xf32, #tpu.memory_space<vmem>>) dst(%dma_wait3A_242 : memref<640xf32, #tpu.memory_space<hbm>>)
      tpu.yield
    }) : () -> ()
    "tpu.region"() ({
      %run_scoped3A = tpu.sem_alloc : memref<!tpu.dma_semaphore, #tpu.memory_space<semaphore_mem>>
      %dma_start3A_239 = tpu.memref_slice %arg11[%mul3A_0] : memref<10240xf32, #tpu.memory_space<hbm>> -> memref<640xf32, #tpu.memory_space<hbm>>
      %dma_start3A_240 = tpu.memref_slice %arg11[%mul3A_0] : memref<10240xf32, #tpu.memory_space<hbm>> -> memref<640xf32, #tpu.memory_space<hbm>>
      tpu.enqueue_dma source(%arg30 : memref<640xf32, #tpu.memory_space<vmem>>) target(%dma_start3A_240 : memref<640xf32, #tpu.memory_space<hbm>>) target_semaphore(%run_scoped3A : memref<!tpu.dma_semaphore, #tpu.memory_space<semaphore_mem>>)
      %dma_wait3A_241 = tpu.memref_slice %arg11[%mul3A_0] : memref<10240xf32, #tpu.memory_space<hbm>> -> memref<640xf32, #tpu.memory_space<hbm>>
      %dma_wait3A_242 = tpu.memref_slice %arg11[%mul3A_0] : memref<10240xf32, #tpu.memory_space<hbm>> -> memref<640xf32, #tpu.memory_space<hbm>>
      tpu.wait_dma2 semaphore(%run_scoped3A : memref<!tpu.dma_semaphore, #tpu.memory_space<semaphore_mem>>) src(%arg30 : memref<640xf32, #tpu.memory_space<vmem>>) dst(%dma_wait3A_242 : memref<640xf32, #tpu.memory_space<hbm>>)
      tpu.yield
    }) : () -> ()
    "tpu.region"() ({
      %run_scoped3A = tpu.sem_alloc : memref<!tpu.dma_semaphore, #tpu.memory_space<semaphore_mem>>
      %dma_start3A_239 = tpu.memref_slice %arg12[%mul3A_0] : memref<10240xf32, #tpu.memory_space<hbm>> -> memref<640xf32, #tpu.memory_space<hbm>>
      %dma_start3A_240 = tpu.memref_slice %arg12[%mul3A_0] : memref<10240xf32, #tpu.memory_space<hbm>> -> memref<640xf32, #tpu.memory_space<hbm>>
      tpu.enqueue_dma source(%arg31 : memref<640xf32, #tpu.memory_space<vmem>>) target(%dma_start3A_240 : memref<640xf32, #tpu.memory_space<hbm>>) target_semaphore(%run_scoped3A : memref<!tpu.dma_semaphore, #tpu.memory_space<semaphore_mem>>)
      %dma_wait3A_241 = tpu.memref_slice %arg12[%mul3A_0] : memref<10240xf32, #tpu.memory_space<hbm>> -> memref<640xf32, #tpu.memory_space<hbm>>
      %dma_wait3A_242 = tpu.memref_slice %arg12[%mul3A_0] : memref<10240xf32, #tpu.memory_space<hbm>> -> memref<640xf32, #tpu.memory_space<hbm>>
      tpu.wait_dma2 semaphore(%run_scoped3A : memref<!tpu.dma_semaphore, #tpu.memory_space<semaphore_mem>>) src(%arg31 : memref<640xf32, #tpu.memory_space<vmem>>) dst(%dma_wait3A_242 : memref<640xf32, #tpu.memory_space<hbm>>)
      tpu.yield
    }) : () -> ()
    "tpu.region"() ({
      %run_scoped3A = tpu.sem_alloc : memref<!tpu.dma_semaphore, #tpu.memory_space<semaphore_mem>>
      %dma_start3A_239 = tpu.memref_slice %arg13[%mul3A_0] : memref<10240xf32, #tpu.memory_space<hbm>> -> memref<640xf32, #tpu.memory_space<hbm>>
      %dma_start3A_240 = tpu.memref_slice %arg13[%mul3A_0] : memref<10240xf32, #tpu.memory_space<hbm>> -> memref<640xf32, #tpu.memory_space<hbm>>
      tpu.enqueue_dma source(%arg32 : memref<640xf32, #tpu.memory_space<vmem>>) target(%dma_start3A_240 : memref<640xf32, #tpu.memory_space<hbm>>) target_semaphore(%run_scoped3A : memref<!tpu.dma_semaphore, #tpu.memory_space<semaphore_mem>>)
      %dma_wait3A_241 = tpu.memref_slice %arg13[%mul3A_0] : memref<10240xf32, #tpu.memory_space<hbm>> -> memref<640xf32, #tpu.memory_space<hbm>>
      %dma_wait3A_242 = tpu.memref_slice %arg13[%mul3A_0] : memref<10240xf32, #tpu.memory_space<hbm>> -> memref<640xf32, #tpu.memory_space<hbm>>
      tpu.wait_dma2 semaphore(%run_scoped3A : memref<!tpu.dma_semaphore, #tpu.memory_space<semaphore_mem>>) src(%arg32 : memref<640xf32, #tpu.memory_space<vmem>>) dst(%dma_wait3A_242 : memref<640xf32, #tpu.memory_space<hbm>>)
      tpu.yield
    }) : () -> ()
    %dma_start3A_40 = arith.constant 0 : i32
    %dma_start3A_41 = tpu.memref_slice %arg27[%dma_start3A_40] : memref<640xi32, #tpu.memory_space<vmem>> -> memref<128xi32, #tpu.memory_space<vmem>>
    %dma_start3A_42 = arith.constant 0 : i32
    %dma_start3A_43 = arith.constant 0 : i32
    %dma_start3A_44 = tpu.memref_slice %arg9[%dma_start3A_42, %dma_start3A_43] : memref<10000x128xf32, #tpu.memory_space<hbm>> -> memref<10000x128xf32, #tpu.memory_space<hbm>>
    tpu.enqueue_indirect_dma source(%dma_start3A_44 : memref<10000x128xf32, #tpu.memory_space<hbm>>) target(%arg33 : memref<128x128xf32, #tpu.memory_space<vmem>>) offsets(%dma_start3A_41 : memref<128xi32, #tpu.memory_space<vmem>>) semaphore(%arg38 : memref<!tpu.dma_semaphore, #tpu.memory_space<semaphore_mem>>)
    %dma_wait3A_45 = arith.constant 0 : i32
    %dma_wait3A_46 = tpu.memref_slice %arg27[%dma_wait3A_45] : memref<640xi32, #tpu.memory_space<vmem>> -> memref<128xi32, #tpu.memory_space<vmem>>
    %dma_wait3A_47 = arith.constant 0 : i32
    %dma_wait3A_48 = arith.constant 0 : i32
    %dma_wait3A_49 = tpu.memref_slice %arg9[%dma_wait3A_47, %dma_wait3A_48] : memref<10000x128xf32, #tpu.memory_space<hbm>> -> memref<10000x128xf32, #tpu.memory_space<hbm>>
    tpu.wait_indirect_dma semaphore(%arg38 : memref<!tpu.dma_semaphore, #tpu.memory_space<semaphore_mem>>) src(%dma_wait3A_49 : memref<10000x128xf32, #tpu.memory_space<hbm>>) dst(%arg33 : memref<128x128xf32, #tpu.memory_space<vmem>>)
    %add3A = arith.constant 0 : i32
    %add3A_50 = arith.addi %mul3A_0, %add3A : i32
    %dma_start3A_51 = arith.constant 0 : i32
    %dma_start3A_52 = tpu.memref_slice %arg14[%add3A_50, %dma_start3A_51] : memref<10240x128xf32, #tpu.memory_space<hbm>> -> memref<128x128xf32, #tpu.memory_space<hbm>>
    %dma_start3A_53 = arith.constant 0 : i32
    %dma_start3A_54 = tpu.memref_slice %arg14[%add3A_50, %dma_start3A_53] : memref<10240x128xf32, #tpu.memory_space<hbm>> -> memref<128x128xf32, #tpu.memory_space<hbm>>
    tpu.enqueue_dma source(%arg33 : memref<128x128xf32, #tpu.memory_space<vmem>>) target(%dma_start3A_54 : memref<128x128xf32, #tpu.memory_space<hbm>>) target_semaphore(%arg37 : memref<!tpu.dma_semaphore, #tpu.memory_space<semaphore_mem>>)
    %dma_start3A_55 = arith.constant 0 : i32
    %dma_start3A_56 = tpu.memref_slice %arg28[%dma_start3A_55] : memref<640xi32, #tpu.memory_space<vmem>> -> memref<128xi32, #tpu.memory_space<vmem>>
    %dma_start3A_57 = arith.constant 0 : i32
    %dma_start3A_58 = arith.constant 0 : i32
    %dma_start3A_59 = tpu.memref_slice %arg9[%dma_start3A_57, %dma_start3A_58] : memref<10000x128xf32, #tpu.memory_space<hbm>> -> memref<10000x128xf32, #tpu.memory_space<hbm>>
    tpu.enqueue_indirect_dma source(%dma_start3A_59 : memref<10000x128xf32, #tpu.memory_space<hbm>>) target(%arg34 : memref<128x128xf32, #tpu.memory_space<vmem>>) offsets(%dma_start3A_56 : memref<128xi32, #tpu.memory_space<vmem>>) semaphore(%arg38 : memref<!tpu.dma_semaphore, #tpu.memory_space<semaphore_mem>>)
    %dma_wait3A_60 = arith.constant 0 : i32
    %dma_wait3A_61 = tpu.memref_slice %arg28[%dma_wait3A_60] : memref<640xi32, #tpu.memory_space<vmem>> -> memref<128xi32, #tpu.memory_space<vmem>>
    %dma_wait3A_62 = arith.constant 0 : i32
    %dma_wait3A_63 = arith.constant 0 : i32
    %dma_wait3A_64 = tpu.memref_slice %arg9[%dma_wait3A_62, %dma_wait3A_63] : memref<10000x128xf32, #tpu.memory_space<hbm>> -> memref<10000x128xf32, #tpu.memory_space<hbm>>
    tpu.wait_indirect_dma semaphore(%arg38 : memref<!tpu.dma_semaphore, #tpu.memory_space<semaphore_mem>>) src(%dma_wait3A_64 : memref<10000x128xf32, #tpu.memory_space<hbm>>) dst(%arg34 : memref<128x128xf32, #tpu.memory_space<vmem>>)
    %add3A_65 = arith.constant 0 : i32
    %add3A_66 = arith.addi %mul3A_0, %add3A_65 : i32
    %dma_start3A_67 = arith.constant 0 : i32
    %dma_start3A_68 = tpu.memref_slice %arg15[%add3A_66, %dma_start3A_67] : memref<10240x128xf32, #tpu.memory_space<hbm>> -> memref<128x128xf32, #tpu.memory_space<hbm>>
    %dma_start3A_69 = arith.constant 0 : i32
    %dma_start3A_70 = tpu.memref_slice %arg15[%add3A_66, %dma_start3A_69] : memref<10240x128xf32, #tpu.memory_space<hbm>> -> memref<128x128xf32, #tpu.memory_space<hbm>>
    tpu.enqueue_dma source(%arg34 : memref<128x128xf32, #tpu.memory_space<vmem>>) target(%dma_start3A_70 : memref<128x128xf32, #tpu.memory_space<hbm>>) target_semaphore(%arg37 : memref<!tpu.dma_semaphore, #tpu.memory_space<semaphore_mem>>)
    %dma_wait3A_71 = arith.constant 0 : i32
    %dma_wait3A_72 = tpu.memref_slice %arg14[%add3A_50, %dma_wait3A_71] : memref<10240x128xf32, #tpu.memory_space<hbm>> -> memref<128x128xf32, #tpu.memory_space<hbm>>
    %dma_wait3A_73 = arith.constant 0 : i32
    %dma_wait3A_74 = tpu.memref_slice %arg14[%add3A_50, %dma_wait3A_73] : memref<10240x128xf32, #tpu.memory_space<hbm>> -> memref<128x128xf32, #tpu.memory_space<hbm>>
    tpu.wait_dma2 semaphore(%arg37 : memref<!tpu.dma_semaphore, #tpu.memory_space<semaphore_mem>>) src(%arg33 : memref<128x128xf32, #tpu.memory_space<vmem>>) dst(%dma_wait3A_74 : memref<128x128xf32, #tpu.memory_space<hbm>>)
    %dma_start3A_75 = arith.constant 128 : i32
    %dma_start3A_76 = tpu.memref_slice %arg27[%dma_start3A_75] : memref<640xi32, #tpu.memory_space<vmem>> -> memref<128xi32, #tpu.memory_space<vmem>>
    %dma_start3A_77 = arith.constant 0 : i32
    %dma_start3A_78 = arith.constant 0 : i32
    %dma_start3A_79 = tpu.memref_slice %arg9[%dma_start3A_77, %dma_start3A_78] : memref<10000x128xf32, #tpu.memory_space<hbm>> -> memref<10000x128xf32, #tpu.memory_space<hbm>>
    tpu.enqueue_indirect_dma source(%dma_start3A_79 : memref<10000x128xf32, #tpu.memory_space<hbm>>) target(%arg33 : memref<128x128xf32, #tpu.memory_space<vmem>>) offsets(%dma_start3A_76 : memref<128xi32, #tpu.memory_space<vmem>>) semaphore(%arg38 : memref<!tpu.dma_semaphore, #tpu.memory_space<semaphore_mem>>)
    %dma_wait3A_80 = arith.constant 128 : i32
    %dma_wait3A_81 = tpu.memref_slice %arg27[%dma_wait3A_80] : memref<640xi32, #tpu.memory_space<vmem>> -> memref<128xi32, #tpu.memory_space<vmem>>
    %dma_wait3A_82 = arith.constant 0 : i32
    %dma_wait3A_83 = arith.constant 0 : i32
    %dma_wait3A_84 = tpu.memref_slice %arg9[%dma_wait3A_82, %dma_wait3A_83] : memref<10000x128xf32, #tpu.memory_space<hbm>> -> memref<10000x128xf32, #tpu.memory_space<hbm>>
    tpu.wait_indirect_dma semaphore(%arg38 : memref<!tpu.dma_semaphore, #tpu.memory_space<semaphore_mem>>) src(%dma_wait3A_84 : memref<10000x128xf32, #tpu.memory_space<hbm>>) dst(%arg33 : memref<128x128xf32, #tpu.memory_space<vmem>>)
    %add3A_85 = arith.constant 128 : i32
    %add3A_86 = arith.addi %mul3A_0, %add3A_85 : i32
    %dma_start3A_87 = arith.constant 0 : i32
    %dma_start3A_88 = tpu.memref_slice %arg14[%add3A_86, %dma_start3A_87] : memref<10240x128xf32, #tpu.memory_space<hbm>> -> memref<128x128xf32, #tpu.memory_space<hbm>>
    %dma_start3A_89 = arith.constant 0 : i32
    %dma_start3A_90 = tpu.memref_slice %arg14[%add3A_86, %dma_start3A_89] : memref<10240x128xf32, #tpu.memory_space<hbm>> -> memref<128x128xf32, #tpu.memory_space<hbm>>
    tpu.enqueue_dma source(%arg33 : memref<128x128xf32, #tpu.memory_space<vmem>>) target(%dma_start3A_90 : memref<128x128xf32, #tpu.memory_space<hbm>>) target_semaphore(%arg37 : memref<!tpu.dma_semaphore, #tpu.memory_space<semaphore_mem>>)
    %dma_wait3A_91 = arith.constant 0 : i32
    %dma_wait3A_92 = tpu.memref_slice %arg15[%add3A_66, %dma_wait3A_91] : memref<10240x128xf32, #tpu.memory_space<hbm>> -> memref<128x128xf32, #tpu.memory_space<hbm>>
    %dma_wait3A_93 = arith.constant 0 : i32
    %dma_wait3A_94 = tpu.memref_slice %arg15[%add3A_66, %dma_wait3A_93] : memref<10240x128xf32, #tpu.memory_space<hbm>> -> memref<128x128xf32, #tpu.memory_space<hbm>>
    tpu.wait_dma2 semaphore(%arg37 : memref<!tpu.dma_semaphore, #tpu.memory_space<semaphore_mem>>) src(%arg34 : memref<128x128xf32, #tpu.memory_space<vmem>>) dst(%dma_wait3A_94 : memref<128x128xf32, #tpu.memory_space<hbm>>)
    %dma_start3A_95 = arith.constant 128 : i32
    %dma_start3A_96 = tpu.memref_slice %arg28[%dma_start3A_95] : memref<640xi32, #tpu.memory_space<vmem>> -> memref<128xi32, #tpu.memory_space<vmem>>
    %dma_start3A_97 = arith.constant 0 : i32
    %dma_start3A_98 = arith.constant 0 : i32
    %dma_start3A_99 = tpu.memref_slice %arg9[%dma_start3A_97, %dma_start3A_98] : memref<10000x128xf32, #tpu.memory_space<hbm>> -> memref<10000x128xf32, #tpu.memory_space<hbm>>
    tpu.enqueue_indirect_dma source(%dma_start3A_99 : memref<10000x128xf32, #tpu.memory_space<hbm>>) target(%arg34 : memref<128x128xf32, #tpu.memory_space<vmem>>) offsets(%dma_start3A_96 : memref<128xi32, #tpu.memory_space<vmem>>) semaphore(%arg38 : memref<!tpu.dma_semaphore, #tpu.memory_space<semaphore_mem>>)
    %dma_wait3A_100 = arith.constant 128 : i32
    %dma_wait3A_101 = tpu.memref_slice %arg28[%dma_wait3A_100] : memref<640xi32, #tpu.memory_space<vmem>> -> memref<128xi32, #tpu.memory_space<vmem>>
    %dma_wait3A_102 = arith.constant 0 : i32
    %dma_wait3A_103 = arith.constant 0 : i32
    %dma_wait3A_104 = tpu.memref_slice %arg9[%dma_wait3A_102, %dma_wait3A_103] : memref<10000x128xf32, #tpu.memory_space<hbm>> -> memref<10000x128xf32, #tpu.memory_space<hbm>>
    tpu.wait_indirect_dma semaphore(%arg38 : memref<!tpu.dma_semaphore, #tpu.memory_space<semaphore_mem>>) src(%dma_wait3A_104 : memref<10000x128xf32, #tpu.memory_space<hbm>>) dst(%arg34 : memref<128x128xf32, #tpu.memory_space<vmem>>)
    %add3A_105 = arith.constant 128 : i32
    %add3A_106 = arith.addi %mul3A_0, %add3A_105 : i32
    %dma_start3A_107 = arith.constant 0 : i32
    %dma_start3A_108 = tpu.memref_slice %arg15[%add3A_106, %dma_start3A_107] : memref<10240x128xf32, #tpu.memory_space<hbm>> -> memref<128x128xf32, #tpu.memory_space<hbm>>
    %dma_start3A_109 = arith.constant 0 : i32
    %dma_start3A_110 = tpu.memref_slice %arg15[%add3A_106, %dma_start3A_109] : memref<10240x128xf32, #tpu.memory_space<hbm>> -> memref<128x128xf32, #tpu.memory_space<hbm>>
    tpu.enqueue_dma source(%arg34 : memref<128x128xf32, #tpu.memory_space<vmem>>) target(%dma_start3A_110 : memref<128x128xf32, #tpu.memory_space<hbm>>) target_semaphore(%arg37 : memref<!tpu.dma_semaphore, #tpu.memory_space<semaphore_mem>>)
    %dma_wait3A_111 = arith.constant 0 : i32
    %dma_wait3A_112 = tpu.memref_slice %arg14[%add3A_86, %dma_wait3A_111] : memref<10240x128xf32, #tpu.memory_space<hbm>> -> memref<128x128xf32, #tpu.memory_space<hbm>>
    %dma_wait3A_113 = arith.constant 0 : i32
    %dma_wait3A_114 = tpu.memref_slice %arg14[%add3A_86, %dma_wait3A_113] : memref<10240x128xf32, #tpu.memory_space<hbm>> -> memref<128x128xf32, #tpu.memory_space<hbm>>
    tpu.wait_dma2 semaphore(%arg37 : memref<!tpu.dma_semaphore, #tpu.memory_space<semaphore_mem>>) src(%arg33 : memref<128x128xf32, #tpu.memory_space<vmem>>) dst(%dma_wait3A_114 : memref<128x128xf32, #tpu.memory_space<hbm>>)
    %dma_start3A_115 = arith.constant 256 : i32
    %dma_start3A_116 = tpu.memref_slice %arg27[%dma_start3A_115] : memref<640xi32, #tpu.memory_space<vmem>> -> memref<128xi32, #tpu.memory_space<vmem>>
    %dma_start3A_117 = arith.constant 0 : i32
    %dma_start3A_118 = arith.constant 0 : i32
    %dma_start3A_119 = tpu.memref_slice %arg9[%dma_start3A_117, %dma_start3A_118] : memref<10000x128xf32, #tpu.memory_space<hbm>> -> memref<10000x128xf32, #tpu.memory_space<hbm>>
    tpu.enqueue_indirect_dma source(%dma_start3A_119 : memref<10000x128xf32, #tpu.memory_space<hbm>>) target(%arg33 : memref<128x128xf32, #tpu.memory_space<vmem>>) offsets(%dma_start3A_116 : memref<128xi32, #tpu.memory_space<vmem>>) semaphore(%arg38 : memref<!tpu.dma_semaphore, #tpu.memory_space<semaphore_mem>>)
    %dma_wait3A_120 = arith.constant 256 : i32
    %dma_wait3A_121 = tpu.memref_slice %arg27[%dma_wait3A_120] : memref<640xi32, #tpu.memory_space<vmem>> -> memref<128xi32, #tpu.memory_space<vmem>>
    %dma_wait3A_122 = arith.constant 0 : i32
    %dma_wait3A_123 = arith.constant 0 : i32
    %dma_wait3A_124 = tpu.memref_slice %arg9[%dma_wait3A_122, %dma_wait3A_123] : memref<10000x128xf32, #tpu.memory_space<hbm>> -> memref<10000x128xf32, #tpu.memory_space<hbm>>
    tpu.wait_indirect_dma semaphore(%arg38 : memref<!tpu.dma_semaphore, #tpu.memory_space<semaphore_mem>>) src(%dma_wait3A_124 : memref<10000x128xf32, #tpu.memory_space<hbm>>) dst(%arg33 : memref<128x128xf32, #tpu.memory_space<vmem>>)
    %add3A_125 = arith.constant 256 : i32
    %add3A_126 = arith.addi %mul3A_0, %add3A_125 : i32
    %dma_start3A_127 = arith.constant 0 : i32
    %dma_start3A_128 = tpu.memref_slice %arg14[%add3A_126, %dma_start3A_127] : memref<10240x128xf32, #tpu.memory_space<hbm>> -> memref<128x128xf32, #tpu.memory_space<hbm>>
    %dma_start3A_129 = arith.constant 0 : i32
    %dma_start3A_130 = tpu.memref_slice %arg14[%add3A_126, %dma_start3A_129] : memref<10240x128xf32, #tpu.memory_space<hbm>> -> memref<128x128xf32, #tpu.memory_space<hbm>>
    tpu.enqueue_dma source(%arg33 : memref<128x128xf32, #tpu.memory_space<vmem>>) target(%dma_start3A_130 : memref<128x128xf32, #tpu.memory_space<hbm>>) target_semaphore(%arg37 : memref<!tpu.dma_semaphore, #tpu.memory_space<semaphore_mem>>)
    %dma_wait3A_131 = arith.constant 0 : i32
    %dma_wait3A_132 = tpu.memref_slice %arg15[%add3A_106, %dma_wait3A_131] : memref<10240x128xf32, #tpu.memory_space<hbm>> -> memref<128x128xf32, #tpu.memory_space<hbm>>
    %dma_wait3A_133 = arith.constant 0 : i32
    %dma_wait3A_134 = tpu.memref_slice %arg15[%add3A_106, %dma_wait3A_133] : memref<10240x128xf32, #tpu.memory_space<hbm>> -> memref<128x128xf32, #tpu.memory_space<hbm>>
    tpu.wait_dma2 semaphore(%arg37 : memref<!tpu.dma_semaphore, #tpu.memory_space<semaphore_mem>>) src(%arg34 : memref<128x128xf32, #tpu.memory_space<vmem>>) dst(%dma_wait3A_134 : memref<128x128xf32, #tpu.memory_space<hbm>>)
    %dma_start3A_135 = arith.constant 256 : i32
    %dma_start3A_136 = tpu.memref_slice %arg28[%dma_start3A_135] : memref<640xi32, #tpu.memory_space<vmem>> -> memref<128xi32, #tpu.memory_space<vmem>>
    %dma_start3A_137 = arith.constant 0 : i32
    %dma_start3A_138 = arith.constant 0 : i32
    %dma_start3A_139 = tpu.memref_slice %arg9[%dma_start3A_137, %dma_start3A_138] : memref<10000x128xf32, #tpu.memory_space<hbm>> -> memref<10000x128xf32, #tpu.memory_space<hbm>>
    tpu.enqueue_indirect_dma source(%dma_start3A_139 : memref<10000x128xf32, #tpu.memory_space<hbm>>) target(%arg34 : memref<128x128xf32, #tpu.memory_space<vmem>>) offsets(%dma_start3A_136 : memref<128xi32, #tpu.memory_space<vmem>>) semaphore(%arg38 : memref<!tpu.dma_semaphore, #tpu.memory_space<semaphore_mem>>)
    %dma_wait3A_140 = arith.constant 256 : i32
    %dma_wait3A_141 = tpu.memref_slice %arg28[%dma_wait3A_140] : memref<640xi32, #tpu.memory_space<vmem>> -> memref<128xi32, #tpu.memory_space<vmem>>
    %dma_wait3A_142 = arith.constant 0 : i32
    %dma_wait3A_143 = arith.constant 0 : i32
    %dma_wait3A_144 = tpu.memref_slice %arg9[%dma_wait3A_142, %dma_wait3A_143] : memref<10000x128xf32, #tpu.memory_space<hbm>> -> memref<10000x128xf32, #tpu.memory_space<hbm>>
    tpu.wait_indirect_dma semaphore(%arg38 : memref<!tpu.dma_semaphore, #tpu.memory_space<semaphore_mem>>) src(%dma_wait3A_144 : memref<10000x128xf32, #tpu.memory_space<hbm>>) dst(%arg34 : memref<128x128xf32, #tpu.memory_space<vmem>>)
    %add3A_145 = arith.constant 256 : i32
    %add3A_146 = arith.addi %mul3A_0, %add3A_145 : i32
    %dma_start3A_147 = arith.constant 0 : i32
    %dma_start3A_148 = tpu.memref_slice %arg15[%add3A_146, %dma_start3A_147] : memref<10240x128xf32, #tpu.memory_space<hbm>> -> memref<128x128xf32, #tpu.memory_space<hbm>>
    %dma_start3A_149 = arith.constant 0 : i32
    %dma_start3A_150 = tpu.memref_slice %arg15[%add3A_146, %dma_start3A_149] : memref<10240x128xf32, #tpu.memory_space<hbm>> -> memref<128x128xf32, #tpu.memory_space<hbm>>
    tpu.enqueue_dma source(%arg34 : memref<128x128xf32, #tpu.memory_space<vmem>>) target(%dma_start3A_150 : memref<128x128xf32, #tpu.memory_space<hbm>>) target_semaphore(%arg37 : memref<!tpu.dma_semaphore, #tpu.memory_space<semaphore_mem>>)
    %dma_wait3A_151 = arith.constant 0 : i32
    %dma_wait3A_152 = tpu.memref_slice %arg14[%add3A_126, %dma_wait3A_151] : memref<10240x128xf32, #tpu.memory_space<hbm>> -> memref<128x128xf32, #tpu.memory_space<hbm>>
    %dma_wait3A_153 = arith.constant 0 : i32
    %dma_wait3A_154 = tpu.memref_slice %arg14[%add3A_126, %dma_wait3A_153] : memref<10240x128xf32, #tpu.memory_space<hbm>> -> memref<128x128xf32, #tpu.memory_space<hbm>>
    tpu.wait_dma2 semaphore(%arg37 : memref<!tpu.dma_semaphore, #tpu.memory_space<semaphore_mem>>) src(%arg33 : memref<128x128xf32, #tpu.memory_space<vmem>>) dst(%dma_wait3A_154 : memref<128x128xf32, #tpu.memory_space<hbm>>)
    %dma_start3A_155 = arith.constant 384 : i32
    %dma_start3A_156 = tpu.memref_slice %arg27[%dma_start3A_155] : memref<640xi32, #tpu.memory_space<vmem>> -> memref<128xi32, #tpu.memory_space<vmem>>
    %dma_start3A_157 = arith.constant 0 : i32
    %dma_start3A_158 = arith.constant 0 : i32
    %dma_start3A_159 = tpu.memref_slice %arg9[%dma_start3A_157, %dma_start3A_158] : memref<10000x128xf32, #tpu.memory_space<hbm>> -> memref<10000x128xf32, #tpu.memory_space<hbm>>
    tpu.enqueue_indirect_dma source(%dma_start3A_159 : memref<10000x128xf32, #tpu.memory_space<hbm>>) target(%arg33 : memref<128x128xf32, #tpu.memory_space<vmem>>) offsets(%dma_start3A_156 : memref<128xi32, #tpu.memory_space<vmem>>) semaphore(%arg38 : memref<!tpu.dma_semaphore, #tpu.memory_space<semaphore_mem>>)
    %dma_wait3A_160 = arith.constant 384 : i32
    %dma_wait3A_161 = tpu.memref_slice %arg27[%dma_wait3A_160] : memref<640xi32, #tpu.memory_space<vmem>> -> memref<128xi32, #tpu.memory_space<vmem>>
    %dma_wait3A_162 = arith.constant 0 : i32
    %dma_wait3A_163 = arith.constant 0 : i32
    %dma_wait3A_164 = tpu.memref_slice %arg9[%dma_wait3A_162, %dma_wait3A_163] : memref<10000x128xf32, #tpu.memory_space<hbm>> -> memref<10000x128xf32, #tpu.memory_space<hbm>>
    tpu.wait_indirect_dma semaphore(%arg38 : memref<!tpu.dma_semaphore, #tpu.memory_space<semaphore_mem>>) src(%dma_wait3A_164 : memref<10000x128xf32, #tpu.memory_space<hbm>>) dst(%arg33 : memref<128x128xf32, #tpu.memory_space<vmem>>)
    %add3A_165 = arith.constant 384 : i32
    %add3A_166 = arith.addi %mul3A_0, %add3A_165 : i32
    %dma_start3A_167 = arith.constant 0 : i32
    %dma_start3A_168 = tpu.memref_slice %arg14[%add3A_166, %dma_start3A_167] : memref<10240x128xf32, #tpu.memory_space<hbm>> -> memref<128x128xf32, #tpu.memory_space<hbm>>
    %dma_start3A_169 = arith.constant 0 : i32
    %dma_start3A_170 = tpu.memref_slice %arg14[%add3A_166, %dma_start3A_169] : memref<10240x128xf32, #tpu.memory_space<hbm>> -> memref<128x128xf32, #tpu.memory_space<hbm>>
    tpu.enqueue_dma source(%arg33 : memref<128x128xf32, #tpu.memory_space<vmem>>) target(%dma_start3A_170 : memref<128x128xf32, #tpu.memory_space<hbm>>) target_semaphore(%arg37 : memref<!tpu.dma_semaphore, #tpu.memory_space<semaphore_mem>>)
    %dma_wait3A_171 = arith.constant 0 : i32
    %dma_wait3A_172 = tpu.memref_slice %arg15[%add3A_146, %dma_wait3A_171] : memref<10240x128xf32, #tpu.memory_space<hbm>> -> memref<128x128xf32, #tpu.memory_space<hbm>>
    %dma_wait3A_173 = arith.constant 0 : i32
    %dma_wait3A_174 = tpu.memref_slice %arg15[%add3A_146, %dma_wait3A_173] : memref<10240x128xf32, #tpu.memory_space<hbm>> -> memref<128x128xf32, #tpu.memory_space<hbm>>
    tpu.wait_dma2 semaphore(%arg37 : memref<!tpu.dma_semaphore, #tpu.memory_space<semaphore_mem>>) src(%arg34 : memref<128x128xf32, #tpu.memory_space<vmem>>) dst(%dma_wait3A_174 : memref<128x128xf32, #tpu.memory_space<hbm>>)
    %dma_start3A_175 = arith.constant 384 : i32
    %dma_start3A_176 = tpu.memref_slice %arg28[%dma_start3A_175] : memref<640xi32, #tpu.memory_space<vmem>> -> memref<128xi32, #tpu.memory_space<vmem>>
    %dma_start3A_177 = arith.constant 0 : i32
    %dma_start3A_178 = arith.constant 0 : i32
    %dma_start3A_179 = tpu.memref_slice %arg9[%dma_start3A_177, %dma_start3A_178] : memref<10000x128xf32, #tpu.memory_space<hbm>> -> memref<10000x128xf32, #tpu.memory_space<hbm>>
    tpu.enqueue_indirect_dma source(%dma_start3A_179 : memref<10000x128xf32, #tpu.memory_space<hbm>>) target(%arg34 : memref<128x128xf32, #tpu.memory_space<vmem>>) offsets(%dma_start3A_176 : memref<128xi32, #tpu.memory_space<vmem>>) semaphore(%arg38 : memref<!tpu.dma_semaphore, #tpu.memory_space<semaphore_mem>>)
    %dma_wait3A_180 = arith.constant 384 : i32
    %dma_wait3A_181 = tpu.memref_slice %arg28[%dma_wait3A_180] : memref<640xi32, #tpu.memory_space<vmem>> -> memref<128xi32, #tpu.memory_space<vmem>>
    %dma_wait3A_182 = arith.constant 0 : i32
    %dma_wait3A_183 = arith.constant 0 : i32
    %dma_wait3A_184 = tpu.memref_slice %arg9[%dma_wait3A_182, %dma_wait3A_183] : memref<10000x128xf32, #tpu.memory_space<hbm>> -> memref<10000x128xf32, #tpu.memory_space<hbm>>
    tpu.wait_indirect_dma semaphore(%arg38 : memref<!tpu.dma_semaphore, #tpu.memory_space<semaphore_mem>>) src(%dma_wait3A_184 : memref<10000x128xf32, #tpu.memory_space<hbm>>) dst(%arg34 : memref<128x128xf32, #tpu.memory_space<vmem>>)
    %add3A_185 = arith.constant 384 : i32
    %add3A_186 = arith.addi %mul3A_0, %add3A_185 : i32
    %dma_start3A_187 = arith.constant 0 : i32
    %dma_start3A_188 = tpu.memref_slice %arg15[%add3A_186, %dma_start3A_187] : memref<10240x128xf32, #tpu.memory_space<hbm>> -> memref<128x128xf32, #tpu.memory_space<hbm>>
    %dma_start3A_189 = arith.constant 0 : i32
    %dma_start3A_190 = tpu.memref_slice %arg15[%add3A_186, %dma_start3A_189] : memref<10240x128xf32, #tpu.memory_space<hbm>> -> memref<128x128xf32, #tpu.memory_space<hbm>>
    tpu.enqueue_dma source(%arg34 : memref<128x128xf32, #tpu.memory_space<vmem>>) target(%dma_start3A_190 : memref<128x128xf32, #tpu.memory_space<hbm>>) target_semaphore(%arg37 : memref<!tpu.dma_semaphore, #tpu.memory_space<semaphore_mem>>)
    %dma_wait3A_191 = arith.constant 0 : i32
    %dma_wait3A_192 = tpu.memref_slice %arg14[%add3A_166, %dma_wait3A_191] : memref<10240x128xf32, #tpu.memory_space<hbm>> -> memref<128x128xf32, #tpu.memory_space<hbm>>
    %dma_wait3A_193 = arith.constant 0 : i32
    %dma_wait3A_194 = tpu.memref_slice %arg14[%add3A_166, %dma_wait3A_193] : memref<10240x128xf32, #tpu.memory_space<hbm>> -> memref<128x128xf32, #tpu.memory_space<hbm>>
    tpu.wait_dma2 semaphore(%arg37 : memref<!tpu.dma_semaphore, #tpu.memory_space<semaphore_mem>>) src(%arg33 : memref<128x128xf32, #tpu.memory_space<vmem>>) dst(%dma_wait3A_194 : memref<128x128xf32, #tpu.memory_space<hbm>>)
    %dma_start3A_195 = arith.constant 512 : i32
    %dma_start3A_196 = tpu.memref_slice %arg27[%dma_start3A_195] : memref<640xi32, #tpu.memory_space<vmem>> -> memref<128xi32, #tpu.memory_space<vmem>>
    %dma_start3A_197 = arith.constant 0 : i32
    %dma_start3A_198 = arith.constant 0 : i32
    %dma_start3A_199 = tpu.memref_slice %arg9[%dma_start3A_197, %dma_start3A_198] : memref<10000x128xf32, #tpu.memory_space<hbm>> -> memref<10000x128xf32, #tpu.memory_space<hbm>>
    tpu.enqueue_indirect_dma source(%dma_start3A_199 : memref<10000x128xf32, #tpu.memory_space<hbm>>) target(%arg33 : memref<128x128xf32, #tpu.memory_space<vmem>>) offsets(%dma_start3A_196 : memref<128xi32, #tpu.memory_space<vmem>>) semaphore(%arg38 : memref<!tpu.dma_semaphore, #tpu.memory_space<semaphore_mem>>)
    %dma_wait3A_200 = arith.constant 512 : i32
    %dma_wait3A_201 = tpu.memref_slice %arg27[%dma_wait3A_200] : memref<640xi32, #tpu.memory_space<vmem>> -> memref<128xi32, #tpu.memory_space<vmem>>
    %dma_wait3A_202 = arith.constant 0 : i32
    %dma_wait3A_203 = arith.constant 0 : i32
    %dma_wait3A_204 = tpu.memref_slice %arg9[%dma_wait3A_202, %dma_wait3A_203] : memref<10000x128xf32, #tpu.memory_space<hbm>> -> memref<10000x128xf32, #tpu.memory_space<hbm>>
    tpu.wait_indirect_dma semaphore(%arg38 : memref<!tpu.dma_semaphore, #tpu.memory_space<semaphore_mem>>) src(%dma_wait3A_204 : memref<10000x128xf32, #tpu.memory_space<hbm>>) dst(%arg33 : memref<128x128xf32, #tpu.memory_space<vmem>>)
    %add3A_205 = arith.constant 512 : i32
    %add3A_206 = arith.addi %mul3A_0, %add3A_205 : i32
    %dma_start3A_207 = arith.constant 0 : i32
    %dma_start3A_208 = tpu.memref_slice %arg14[%add3A_206, %dma_start3A_207] : memref<10240x128xf32, #tpu.memory_space<hbm>> -> memref<128x128xf32, #tpu.memory_space<hbm>>
    %dma_start3A_209 = arith.constant 0 : i32
    %dma_start3A_210 = tpu.memref_slice %arg14[%add3A_206, %dma_start3A_209] : memref<10240x128xf32, #tpu.memory_space<hbm>> -> memref<128x128xf32, #tpu.memory_space<hbm>>
    tpu.enqueue_dma source(%arg33 : memref<128x128xf32, #tpu.memory_space<vmem>>) target(%dma_start3A_210 : memref<128x128xf32, #tpu.memory_space<hbm>>) target_semaphore(%arg37 : memref<!tpu.dma_semaphore, #tpu.memory_space<semaphore_mem>>)
    %dma_wait3A_211 = arith.constant 0 : i32
    %dma_wait3A_212 = tpu.memref_slice %arg15[%add3A_186, %dma_wait3A_211] : memref<10240x128xf32, #tpu.memory_space<hbm>> -> memref<128x128xf32, #tpu.memory_space<hbm>>
    %dma_wait3A_213 = arith.constant 0 : i32
    %dma_wait3A_214 = tpu.memref_slice %arg15[%add3A_186, %dma_wait3A_213] : memref<10240x128xf32, #tpu.memory_space<hbm>> -> memref<128x128xf32, #tpu.memory_space<hbm>>
    tpu.wait_dma2 semaphore(%arg37 : memref<!tpu.dma_semaphore, #tpu.memory_space<semaphore_mem>>) src(%arg34 : memref<128x128xf32, #tpu.memory_space<vmem>>) dst(%dma_wait3A_214 : memref<128x128xf32, #tpu.memory_space<hbm>>)
    %dma_start3A_215 = arith.constant 512 : i32
    %dma_start3A_216 = tpu.memref_slice %arg28[%dma_start3A_215] : memref<640xi32, #tpu.memory_space<vmem>> -> memref<128xi32, #tpu.memory_space<vmem>>
    %dma_start3A_217 = arith.constant 0 : i32
    %dma_start3A_218 = arith.constant 0 : i32
    %dma_start3A_219 = tpu.memref_slice %arg9[%dma_start3A_217, %dma_start3A_218] : memref<10000x128xf32, #tpu.memory_space<hbm>> -> memref<10000x128xf32, #tpu.memory_space<hbm>>
    tpu.enqueue_indirect_dma source(%dma_start3A_219 : memref<10000x128xf32, #tpu.memory_space<hbm>>) target(%arg34 : memref<128x128xf32, #tpu.memory_space<vmem>>) offsets(%dma_start3A_216 : memref<128xi32, #tpu.memory_space<vmem>>) semaphore(%arg38 : memref<!tpu.dma_semaphore, #tpu.memory_space<semaphore_mem>>)
    %dma_wait3A_220 = arith.constant 512 : i32
    %dma_wait3A_221 = tpu.memref_slice %arg28[%dma_wait3A_220] : memref<640xi32, #tpu.memory_space<vmem>> -> memref<128xi32, #tpu.memory_space<vmem>>
    %dma_wait3A_222 = arith.constant 0 : i32
    %dma_wait3A_223 = arith.constant 0 : i32
    %dma_wait3A_224 = tpu.memref_slice %arg9[%dma_wait3A_222, %dma_wait3A_223] : memref<10000x128xf32, #tpu.memory_space<hbm>> -> memref<10000x128xf32, #tpu.memory_space<hbm>>
    tpu.wait_indirect_dma semaphore(%arg38 : memref<!tpu.dma_semaphore, #tpu.memory_space<semaphore_mem>>) src(%dma_wait3A_224 : memref<10000x128xf32, #tpu.memory_space<hbm>>) dst(%arg34 : memref<128x128xf32, #tpu.memory_space<vmem>>)
    %add3A_225 = arith.constant 512 : i32
    %add3A_226 = arith.addi %mul3A_0, %add3A_225 : i32
    %dma_start3A_227 = arith.constant 0 : i32
    %dma_start3A_228 = tpu.memref_slice %arg15[%add3A_226, %dma_start3A_227] : memref<10240x128xf32, #tpu.memory_space<hbm>> -> memref<128x128xf32, #tpu.memory_space<hbm>>
    %dma_start3A_229 = arith.constant 0 : i32
    %dma_start3A_230 = tpu.memref_slice %arg15[%add3A_226, %dma_start3A_229] : memref<10240x128xf32, #tpu.memory_space<hbm>> -> memref<128x128xf32, #tpu.memory_space<hbm>>
    tpu.enqueue_dma source(%arg34 : memref<128x128xf32, #tpu.memory_space<vmem>>) target(%dma_start3A_230 : memref<128x128xf32, #tpu.memory_space<hbm>>) target_semaphore(%arg37 : memref<!tpu.dma_semaphore, #tpu.memory_space<semaphore_mem>>)
    %dma_wait3A_231 = arith.constant 0 : i32
    %dma_wait3A_232 = tpu.memref_slice %arg14[%add3A_206, %dma_wait3A_231] : memref<10240x128xf32, #tpu.memory_space<hbm>> -> memref<128x128xf32, #tpu.memory_space<hbm>>
    %dma_wait3A_233 = arith.constant 0 : i32
    %dma_wait3A_234 = tpu.memref_slice %arg14[%add3A_206, %dma_wait3A_233] : memref<10240x128xf32, #tpu.memory_space<hbm>> -> memref<128x128xf32, #tpu.memory_space<hbm>>
    tpu.wait_dma2 semaphore(%arg37 : memref<!tpu.dma_semaphore, #tpu.memory_space<semaphore_mem>>) src(%arg33 : memref<128x128xf32, #tpu.memory_space<vmem>>) dst(%dma_wait3A_234 : memref<128x128xf32, #tpu.memory_space<hbm>>)
    %dma_wait3A_235 = arith.constant 0 : i32
    %dma_wait3A_236 = tpu.memref_slice %arg15[%add3A_226, %dma_wait3A_235] : memref<10240x128xf32, #tpu.memory_space<hbm>> -> memref<128x128xf32, #tpu.memory_space<hbm>>
    %dma_wait3A_237 = arith.constant 0 : i32
    %dma_wait3A_238 = tpu.memref_slice %arg15[%add3A_226, %dma_wait3A_237] : memref<10240x128xf32, #tpu.memory_space<hbm>> -> memref<128x128xf32, #tpu.memory_space<hbm>>
    tpu.wait_dma2 semaphore(%arg37 : memref<!tpu.dma_semaphore, #tpu.memory_space<semaphore_mem>>) src(%arg34 : memref<128x128xf32, #tpu.memory_space<vmem>>) dst(%dma_wait3A_238 : memref<128x128xf32, #tpu.memory_space<hbm>>)
    return
  }
}

module attributes {stable_mosaic.version = 14 : i64} {
  func.func @_tc_body(%arg0: i32, %arg1: memref<1000x128xf32, #tpu.memory_space<vmem>>, %arg2: memref<1000x128xf32, #tpu.memory_space<vmem>>, %arg3: memref<1000x128xf32, #tpu.memory_space<vmem>>, %arg4: memref<1000x1xf32, #tpu.memory_space<vmem>>, %arg5: memref<1000x1xf32, #tpu.memory_space<vmem>>, %arg6: memref<1000x1xf32, #tpu.memory_space<vmem>>, %arg7: memref<1000x1xf32, #tpu.memory_space<vmem>>, %arg8: memref<128x64xf32, #tpu.memory_space<vmem>>, %arg9: memref<128x64xf32, #tpu.memory_space<vmem>>, %arg10: memref<128x64xf32, #tpu.memory_space<vmem>>, %arg11: memref<1x64xf32, #tpu.memory_space<vmem>>, %arg12: memref<1x64xf32, #tpu.memory_space<vmem>>, %arg13: memref<1x1xf32, #tpu.memory_space<vmem>>, %arg14: memref<128x64xf32, #tpu.memory_space<vmem>>, %arg15: memref<128x64xf32, #tpu.memory_space<vmem>>, %arg16: memref<128x64xf32, #tpu.memory_space<vmem>>, %arg17: memref<1x64xf32, #tpu.memory_space<vmem>>, %arg18: memref<64x32xf32, #tpu.memory_space<vmem>>, %arg19: memref<1x32xf32, #tpu.memory_space<vmem>>, %arg20: memref<1x32xf32, #tpu.memory_space<vmem>>, %arg21: memref<1x1xf32, #tpu.memory_space<vmem>>, %arg22: memref<1000x128xf32, #tpu.memory_space<vmem>>, %arg23: memref<1000x1xf32, #tpu.memory_space<vmem>>, %arg24: memref<1000x1xf32, #tpu.memory_space<vmem>>, %arg25: memref<1000x1xf32, #tpu.memory_space<vmem>>, %arg26: memref<1000x1xf32, #tpu.memory_space<vmem>>) attributes {dimension_semantics = [#tpu.dimension_semantics<arbitrary>], iteration_bounds = array<i64: 10>, scalar_prefetch = 0 : i64, scratch_operands = 0 : i64, tpu.core_type = #tpu.core_type<tc>, window_params = [{transform_indices = @transform_0, window_bounds = array<i64: 1000, 128>}, {transform_indices = @transform_1, window_bounds = array<i64: 1000, 128>}, {transform_indices = @transform_2, window_bounds = array<i64: 1000, 128>}, {transform_indices = @transform_3, window_bounds = array<i64: 1000, 1>}, {transform_indices = @transform_4, window_bounds = array<i64: 1000, 1>}, {transform_indices = @transform_5, window_bounds = array<i64: 1000, 1>}, {transform_indices = @transform_6, window_bounds = array<i64: 1000, 1>}, {pipeline_mode = #tpu.pipeline_mode<synchronous>, transform_indices = @transform_7, window_bounds = array<i64: 128, 64>}, {pipeline_mode = #tpu.pipeline_mode<synchronous>, transform_indices = @transform_8, window_bounds = array<i64: 128, 64>}, {pipeline_mode = #tpu.pipeline_mode<synchronous>, transform_indices = @transform_9, window_bounds = array<i64: 128, 64>}, {pipeline_mode = #tpu.pipeline_mode<synchronous>, transform_indices = @transform_10, window_bounds = array<i64: 1, 64>}, {pipeline_mode = #tpu.pipeline_mode<synchronous>, transform_indices = @transform_11, window_bounds = array<i64: 1, 64>}, {pipeline_mode = #tpu.pipeline_mode<synchronous>, transform_indices = @transform_12, window_bounds = array<i64: 1, 1>}, {pipeline_mode = #tpu.pipeline_mode<synchronous>, transform_indices = @transform_13, window_bounds = array<i64: 128, 64>}, {pipeline_mode = #tpu.pipeline_mode<synchronous>, transform_indices = @transform_14, window_bounds = array<i64: 128, 64>}, {pipeline_mode = #tpu.pipeline_mode<synchronous>, transform_indices = @transform_15, window_bounds = array<i64: 128, 64>}, {pipeline_mode = #tpu.pipeline_mode<synchronous>, transform_indices = @transform_16, window_bounds = array<i64: 1, 64>}, {pipeline_mode = #tpu.pipeline_mode<synchronous>, transform_indices = @transform_17, window_bounds = array<i64: 64, 32>}, {pipeline_mode = #tpu.pipeline_mode<synchronous>, transform_indices = @transform_18, window_bounds = array<i64: 1, 32>}, {pipeline_mode = #tpu.pipeline_mode<synchronous>, transform_indices = @transform_19, window_bounds = array<i64: 1, 32>}, {pipeline_mode = #tpu.pipeline_mode<synchronous>, transform_indices = @transform_20, window_bounds = array<i64: 1, 1>}, {transform_indices = @transform_21, window_bounds = array<i64: 1000, 128>}, {transform_indices = @transform_22, window_bounds = array<i64: 1000, 1>}, {transform_indices = @transform_23, window_bounds = array<i64: 1000, 1>}, {transform_indices = @transform_24, window_bounds = array<i64: 1000, 1>}, {transform_indices = @transform_25, window_bounds = array<i64: 1000, 1>}]} {
    %get3A = arith.constant 0 : index
    %get3A_0 = arith.constant 0 : index
    %get3A_1 = vector.load %arg1[%get3A, %get3A_0] : memref<1000x128xf32, #tpu.memory_space<vmem>>, vector<1000x128xf32>
    %get3A_2 = arith.constant 0 : index
    %get3A_3 = arith.constant 0 : index
    %get3A_4 = vector.load %arg2[%get3A_2, %get3A_3] : memref<1000x128xf32, #tpu.memory_space<vmem>>, vector<1000x128xf32>
    %get3A_5 = arith.constant 0 : index
    %get3A_6 = arith.constant 0 : index
    %get3A_7 = vector.load %arg3[%get3A_5, %get3A_6] : memref<1000x128xf32, #tpu.memory_space<vmem>>, vector<1000x128xf32>
    %get3A_8 = arith.constant 0 : index
    %get3A_9 = arith.constant 0 : index
    %get3A_10 = vector.load %arg4[%get3A_8, %get3A_9] : memref<1000x1xf32, #tpu.memory_space<vmem>>, vector<1000x1xf32>
    %get3A_11 = arith.constant 0 : index
    %get3A_12 = arith.constant 0 : index
    %get3A_13 = vector.load %arg5[%get3A_11, %get3A_12] : memref<1000x1xf32, #tpu.memory_space<vmem>>, vector<1000x1xf32>
    %get3A_14 = arith.constant 0 : index
    %get3A_15 = arith.constant 0 : index
    %get3A_16 = vector.load %arg6[%get3A_14, %get3A_15] : memref<1000x1xf32, #tpu.memory_space<vmem>>, vector<1000x1xf32>
    %get3A_17 = arith.constant 0 : index
    %get3A_18 = arith.constant 0 : index
    %get3A_19 = vector.load %arg7[%get3A_17, %get3A_18] : memref<1000x1xf32, #tpu.memory_space<vmem>>, vector<1000x1xf32>
    %sqrt3A = math.sqrt %get3A_16 : vector<1000x1xf32>
    %add3A = arith.constant 9.99999996E-13 : f32
    %add3A_20 = vector.broadcast %add3A : f32 to vector<1000x1xf32>
    %add3A_21 = arith.addf %sqrt3A, %add3A_20 : vector<1000x1xf32>
    %div3A = arith.divf %get3A_13, %add3A_21 : vector<1000x1xf32>
    %jit3A = arith.constant -1.000000e+00 : f32
    %jit3A_22 = arith.constant 1.000000e+00 : f32
    %max3A = vector.broadcast %jit3A : f32 to vector<1000x1xf32>
    %max3A_23 = arith.maximumf %max3A, %div3A : vector<1000x1xf32>
    %min3A = vector.broadcast %jit3A_22 : f32 to vector<1000x1xf32>
    %min3A_24 = arith.minimumf %min3A, %max3A_23 : vector<1000x1xf32>
    %abs3A = math.absf %min3A_24 : vector<1000x1xf32>
    %mul3A = arith.constant -1.090670e-01 : f32
    %mul3A_25 = vector.broadcast %mul3A : f32 to vector<1000x1xf32>
    %mul3A_26 = arith.mulf %mul3A_25, %abs3A : vector<1000x1xf32>
    %add3A_27 = arith.constant 0.368623346 : f32
    %add3A_28 = vector.broadcast %add3A_27 : f32 to vector<1000x1xf32>
    %add3A_29 = arith.addf %mul3A_26, %add3A_28 : vector<1000x1xf32>
    %mul3A_30 = arith.mulf %add3A_29, %abs3A : vector<1000x1xf32>
    %add3A_31 = arith.constant -0.496028721 : f32
    %add3A_32 = vector.broadcast %add3A_31 : f32 to vector<1000x1xf32>
    %add3A_33 = arith.addf %mul3A_30, %add3A_32 : vector<1000x1xf32>
    %mul3A_34 = arith.mulf %add3A_33, %abs3A : vector<1000x1xf32>
    %add3A_35 = arith.constant 0.347292632 : f32
    %add3A_36 = vector.broadcast %add3A_35 : f32 to vector<1000x1xf32>
    %add3A_37 = arith.addf %mul3A_34, %add3A_36 : vector<1000x1xf32>
    %mul3A_38 = arith.mulf %add3A_37, %abs3A : vector<1000x1xf32>
    %add3A_39 = arith.constant -0.159015343 : f32
    %add3A_40 = vector.broadcast %add3A_39 : f32 to vector<1000x1xf32>
    %add3A_41 = arith.addf %mul3A_38, %add3A_40 : vector<1000x1xf32>
    %mul3A_42 = arith.mulf %add3A_41, %abs3A : vector<1000x1xf32>
    %add3A_43 = arith.constant 0.107382357 : f32
    %add3A_44 = vector.broadcast %add3A_43 : f32 to vector<1000x1xf32>
    %add3A_45 = arith.addf %mul3A_42, %add3A_44 : vector<1000x1xf32>
    %mul3A_46 = arith.mulf %add3A_45, %abs3A : vector<1000x1xf32>
    %add3A_47 = arith.constant -0.215867698 : f32
    %add3A_48 = vector.broadcast %add3A_47 : f32 to vector<1000x1xf32>
    %add3A_49 = arith.addf %mul3A_46, %add3A_48 : vector<1000x1xf32>
    %mul3A_50 = arith.mulf %add3A_49, %abs3A : vector<1000x1xf32>
    %add3A_51 = arith.constant 1.57081711 : f32
    %add3A_52 = vector.broadcast %add3A_51 : f32 to vector<1000x1xf32>
    %add3A_53 = arith.addf %mul3A_50, %add3A_52 : vector<1000x1xf32>
    %sub3A = arith.constant 1.000000e+00 : f32
    %sub3A_54 = vector.broadcast %sub3A : f32 to vector<1000x1xf32>
    %sub3A_55 = arith.subf %sub3A_54, %abs3A : vector<1000x1xf32>
    %max3A_56 = arith.constant 0.000000e+00 : f32
    %max3A_57 = vector.broadcast %max3A_56 : f32 to vector<1000x1xf32>
    %max3A_58 = arith.maximumf %sub3A_55, %max3A_57 : vector<1000x1xf32>
    %sqrt3A_59 = math.sqrt %max3A_58 : vector<1000x1xf32>
    %mul3A_60 = arith.mulf %sqrt3A_59, %add3A_53 : vector<1000x1xf32>
    %ge3A = arith.constant 0.000000e+00 : f32
    %ge3A_61 = vector.broadcast %ge3A : f32 to vector<1000x1xf32>
    %ge3A_62 = arith.cmpf oge, %min3A_24, %ge3A_61 : vector<1000x1xf32>
    %sub3A_63 = arith.constant 3.14159274 : f32
    %sub3A_64 = vector.broadcast %sub3A_63 : f32 to vector<1000x1xf32>
    %sub3A_65 = arith.subf %sub3A_64, %mul3A_60 : vector<1000x1xf32>
    %select_n3A = arith.select %ge3A_62, %mul3A_60, %sub3A_65 : vector<1000x1xi1>, vector<1000x1xf32>
    %mul3A_66 = arith.constant 57.2957802 : f32
    %mul3A_67 = vector.broadcast %mul3A_66 : f32 to vector<1000x1xf32>
    %mul3A_68 = arith.mulf %select_n3A, %mul3A_67 : vector<1000x1xf32>
    %ge3A_69 = arith.constant 3.000000e+01 : f32
    %ge3A_70 = vector.broadcast %ge3A_69 : f32 to vector<1000x1xf32>
    %ge3A_71 = arith.cmpf oge, %mul3A_68, %ge3A_70 : vector<1000x1xf32>
    %le3A = arith.constant 6.000000e+01 : f32
    %le3A_72 = vector.broadcast %le3A : f32 to vector<1000x1xf32>
    %le3A_73 = arith.cmpf ole, %mul3A_68, %le3A_72 : vector<1000x1xf32>
    %and3A = arith.andi %ge3A_71, %le3A_73 : vector<1000x1xi1>
    %lt3A = arith.constant 3.000000e+01 : f32
    %lt3A_74 = vector.broadcast %lt3A : f32 to vector<1000x1xf32>
    %lt3A_75 = arith.cmpf olt, %mul3A_68, %lt3A_74 : vector<1000x1xf32>
    %sub3A_76 = arith.constant 3.000000e+01 : f32
    %sub3A_77 = vector.broadcast %sub3A_76 : f32 to vector<1000x1xf32>
    %sub3A_78 = arith.subf %sub3A_77, %mul3A_68 : vector<1000x1xf32>
    %sub3A_79 = arith.constant 6.000000e+01 : f32
    %sub3A_80 = vector.broadcast %sub3A_79 : f32 to vector<1000x1xf32>
    %sub3A_81 = arith.subf %mul3A_68, %sub3A_80 : vector<1000x1xf32>
    %select_n3A_82 = arith.select %lt3A_75, %sub3A_78, %sub3A_81 : vector<1000x1xi1>, vector<1000x1xf32>
    %div3A_83 = arith.constant 3.000000e+01 : f32
    %div3A_84 = vector.broadcast %div3A_83 : f32 to vector<1000x1xf32>
    %div3A_85 = arith.divf %select_n3A_82, %div3A_84 : vector<1000x1xf32>
    %sub3A_86 = arith.constant 1.000000e+00 : f32
    %sub3A_87 = vector.broadcast %sub3A_86 : f32 to vector<1000x1xf32>
    %sub3A_88 = arith.subf %sub3A_87, %div3A_85 : vector<1000x1xf32>
    %max3A_89 = arith.constant 0.000000e+00 : f32
    %max3A_90 = vector.broadcast %max3A_89 : f32 to vector<1000x1xf32>
    %max3A_91 = arith.maximumf %max3A_90, %sub3A_88 : vector<1000x1xf32>
    %jit3A_92 = arith.constant 1.000000e+00 : f32
    %broadcast_in_dim3A = vector.broadcast %jit3A_92 : f32 to vector<1000x1xf32>
    %select_n3A_93 = arith.select %and3A, %broadcast_in_dim3A, %max3A_91 : vector<1000x1xi1>, vector<1000x1xf32>
    %sub3A_94 = arith.constant 1.000000e+00 : f32
    %sub3A_95 = vector.broadcast %sub3A_94 : f32 to vector<1000x1xf32>
    %sub3A_96 = arith.subf %sub3A_95, %select_n3A_93 : vector<1000x1xf32>
    %jit3A_97 = arith.constant 0.000000e+00 : f32
    %broadcast_in_dim3A_98 = vector.broadcast %jit3A_97 : f32 to vector<1000x1xf32>
    %select_n3A_99 = arith.select %and3A, %broadcast_in_dim3A_98, %sub3A_96 : vector<1000x1xi1>, vector<1000x1xf32>
    %get3A_100 = arith.constant 0 : index
    %get3A_101 = arith.constant 0 : index
    %get3A_102 = vector.load %arg8[%get3A_100, %get3A_101] : memref<128x64xf32, #tpu.memory_space<vmem>>, vector<128x64xf32>
    %dot_general3A = arith.constant dense<0.000000e+00> : vector<1000x64xf32>
    %dot_general3A_103 = tpu.matmul %get3A_1, %get3A_102, %dot_general3A {dimension_numbers = #tpu.dot_dimension_numbers<[1], [0], [0], [1], [0, 0, 1, 1], [], []>, transpose_lhs_hint = false} : vector<1000x128xf32>, vector<128x64xf32>, vector<1000x64xf32> -> vector<1000x64xf32>
    %get3A_104 = arith.constant 0 : index
    %get3A_105 = arith.constant 0 : index
    %get3A_106 = vector.load %arg9[%get3A_104, %get3A_105] : memref<128x64xf32, #tpu.memory_space<vmem>>, vector<128x64xf32>
    %dot_general3A_107 = arith.constant dense<0.000000e+00> : vector<1000x64xf32>
    %dot_general3A_108 = tpu.matmul %get3A_4, %get3A_106, %dot_general3A_107 {dimension_numbers = #tpu.dot_dimension_numbers<[1], [0], [0], [1], [0, 0, 1, 1], [], []>, transpose_lhs_hint = false} : vector<1000x128xf32>, vector<128x64xf32>, vector<1000x64xf32> -> vector<1000x64xf32>
    %add3A_109 = arith.addf %dot_general3A_103, %dot_general3A_108 : vector<1000x64xf32>
    %get3A_110 = arith.constant 0 : index
    %get3A_111 = arith.constant 0 : index
    %get3A_112 = vector.load %arg10[%get3A_110, %get3A_111] : memref<128x64xf32, #tpu.memory_space<vmem>>, vector<128x64xf32>
    %dot_general3A_113 = arith.constant dense<0.000000e+00> : vector<1000x64xf32>
    %dot_general3A_114 = tpu.matmul %get3A_7, %get3A_112, %dot_general3A_113 {dimension_numbers = #tpu.dot_dimension_numbers<[1], [0], [0], [1], [0, 0, 1, 1], [], []>, transpose_lhs_hint = false} : vector<1000x128xf32>, vector<128x64xf32>, vector<1000x64xf32> -> vector<1000x64xf32>
    %add3A_115 = arith.addf %add3A_109, %dot_general3A_114 : vector<1000x64xf32>
    %get3A_116 = arith.constant 0 : index
    %get3A_117 = arith.constant 0 : index
    %get3A_118 = vector.load %arg11[%get3A_116, %get3A_117] : memref<1x64xf32, #tpu.memory_space<vmem>>, vector<1x64xf32>
    %add3A_119 = vector.broadcast %get3A_118 : vector<1x64xf32> to vector<1000x64xf32>
    %add3A_120 = arith.addf %add3A_115, %add3A_119 : vector<1000x64xf32>
    %max3A_121 = arith.constant 0.000000e+00 : f32
    %max3A_122 = vector.broadcast %max3A_121 : f32 to vector<1000x64xf32>
    %max3A_123 = arith.maximumf %add3A_120, %max3A_122 : vector<1000x64xf32>
    %get3A_124 = arith.constant 0 : index
    %get3A_125 = arith.constant 0 : index
    %get3A_126 = vector.load %arg12[%get3A_124, %get3A_125] : memref<1x64xf32, #tpu.memory_space<vmem>>, vector<1x64xf32>
    %mul3A_127 = vector.broadcast %get3A_126 : vector<1x64xf32> to vector<1000x64xf32>
    %mul3A_128 = arith.mulf %max3A_123, %mul3A_127 : vector<1000x64xf32>
    %reduce_sum3A = arith.constant dense<0.000000e+00> : vector<1000xf32>
    %reduce_sum3A_129 = vector.multi_reduction <add>, %mul3A_128, %reduce_sum3A [1] : vector<1000x64xf32> to vector<1000xf32>
    %broadcast_in_dim3A_130 = vector.shape_cast %reduce_sum3A_129 : vector<1000xf32> to vector<1000x1xf32>
    %get3A_131 = arith.constant 0 : index
    %get3A_132 = arith.constant 0 : index
    %get3A_133 = vector.load %arg13[%get3A_131, %get3A_132] : memref<1x1xf32, #tpu.memory_space<vmem>>, vector<1x1xf32>
    %add3A_134 = vector.broadcast %get3A_133 : vector<1x1xf32> to vector<1000x1xf32>
    %add3A_135 = arith.addf %broadcast_in_dim3A_130, %add3A_134 : vector<1000x1xf32>
    %logistic3A = arith.negf %add3A_135 : vector<1000x1xf32>
    %logistic3A_136 = math.exp %logistic3A : vector<1000x1xf32>
    %logistic3A_137 = arith.constant 1.000000e+00 : f32
    %logistic3A_138 = vector.broadcast %logistic3A_137 : f32 to vector<1000x1xf32>
    %logistic3A_139 = arith.addf %logistic3A_138, %logistic3A_136 : vector<1000x1xf32>
    %logistic3A_140 = arith.divf %logistic3A_138, %logistic3A_139 : vector<1000x1xf32>
    %get3A_141 = arith.constant 0 : index
    %get3A_142 = arith.constant 0 : index
    %get3A_143 = vector.load %arg14[%get3A_141, %get3A_142] : memref<128x64xf32, #tpu.memory_space<vmem>>, vector<128x64xf32>
    %dot_general3A_144 = arith.constant dense<0.000000e+00> : vector<1000x64xf32>
    %dot_general3A_145 = tpu.matmul %get3A_1, %get3A_143, %dot_general3A_144 {dimension_numbers = #tpu.dot_dimension_numbers<[1], [0], [0], [1], [0, 0, 1, 1], [], []>, transpose_lhs_hint = false} : vector<1000x128xf32>, vector<128x64xf32>, vector<1000x64xf32> -> vector<1000x64xf32>
    %get3A_146 = arith.constant 0 : index
    %get3A_147 = arith.constant 0 : index
    %get3A_148 = vector.load %arg15[%get3A_146, %get3A_147] : memref<128x64xf32, #tpu.memory_space<vmem>>, vector<128x64xf32>
    %dot_general3A_149 = arith.constant dense<0.000000e+00> : vector<1000x64xf32>
    %dot_general3A_150 = tpu.matmul %get3A_4, %get3A_148, %dot_general3A_149 {dimension_numbers = #tpu.dot_dimension_numbers<[1], [0], [0], [1], [0, 0, 1, 1], [], []>, transpose_lhs_hint = false} : vector<1000x128xf32>, vector<128x64xf32>, vector<1000x64xf32> -> vector<1000x64xf32>
    %add3A_151 = arith.addf %dot_general3A_145, %dot_general3A_150 : vector<1000x64xf32>
    %get3A_152 = arith.constant 0 : index
    %get3A_153 = arith.constant 0 : index
    %get3A_154 = vector.load %arg16[%get3A_152, %get3A_153] : memref<128x64xf32, #tpu.memory_space<vmem>>, vector<128x64xf32>
    %dot_general3A_155 = arith.constant dense<0.000000e+00> : vector<1000x64xf32>
    %dot_general3A_156 = tpu.matmul %get3A_7, %get3A_154, %dot_general3A_155 {dimension_numbers = #tpu.dot_dimension_numbers<[1], [0], [0], [1], [0, 0, 1, 1], [], []>, transpose_lhs_hint = false} : vector<1000x128xf32>, vector<128x64xf32>, vector<1000x64xf32> -> vector<1000x64xf32>
    %add3A_157 = arith.addf %add3A_151, %dot_general3A_156 : vector<1000x64xf32>
    %get3A_158 = arith.constant 0 : index
    %get3A_159 = arith.constant 0 : index
    %get3A_160 = vector.load %arg17[%get3A_158, %get3A_159] : memref<1x64xf32, #tpu.memory_space<vmem>>, vector<1x64xf32>
    %add3A_161 = vector.broadcast %get3A_160 : vector<1x64xf32> to vector<1000x64xf32>
    %add3A_162 = arith.addf %add3A_157, %add3A_161 : vector<1000x64xf32>
    %max3A_163 = arith.constant 0.000000e+00 : f32
    %max3A_164 = vector.broadcast %max3A_163 : f32 to vector<1000x64xf32>
    %max3A_165 = arith.maximumf %add3A_162, %max3A_164 : vector<1000x64xf32>
    %get3A_166 = arith.constant 0 : index
    %get3A_167 = arith.constant 0 : index
    %get3A_168 = vector.load %arg18[%get3A_166, %get3A_167] : memref<64x32xf32, #tpu.memory_space<vmem>>, vector<64x32xf32>
    %dot_general3A_169 = arith.constant dense<0.000000e+00> : vector<1000x32xf32>
    %dot_general3A_170 = tpu.matmul %max3A_165, %get3A_168, %dot_general3A_169 {dimension_numbers = #tpu.dot_dimension_numbers<[1], [0], [0], [1], [0, 0, 1, 1], [], []>, transpose_lhs_hint = false} : vector<1000x64xf32>, vector<64x32xf32>, vector<1000x32xf32> -> vector<1000x32xf32>
    %get3A_171 = arith.constant 0 : index
    %get3A_172 = arith.constant 0 : index
    %get3A_173 = vector.load %arg19[%get3A_171, %get3A_172] : memref<1x32xf32, #tpu.memory_space<vmem>>, vector<1x32xf32>
    %add3A_174 = vector.broadcast %get3A_173 : vector<1x32xf32> to vector<1000x32xf32>
    %add3A_175 = arith.addf %dot_general3A_170, %add3A_174 : vector<1000x32xf32>
    %max3A_176 = arith.constant 0.000000e+00 : f32
    %max3A_177 = vector.broadcast %max3A_176 : f32 to vector<1000x32xf32>
    %max3A_178 = arith.maximumf %add3A_175, %max3A_177 : vector<1000x32xf32>
    %get3A_179 = arith.constant 0 : index
    %get3A_180 = arith.constant 0 : index
    %get3A_181 = vector.load %arg20[%get3A_179, %get3A_180] : memref<1x32xf32, #tpu.memory_space<vmem>>, vector<1x32xf32>
    %mul3A_182 = vector.broadcast %get3A_181 : vector<1x32xf32> to vector<1000x32xf32>
    %mul3A_183 = arith.mulf %max3A_178, %mul3A_182 : vector<1000x32xf32>
    %reduce_sum3A_184 = arith.constant dense<0.000000e+00> : vector<1000xf32>
    %reduce_sum3A_185 = vector.multi_reduction <add>, %mul3A_183, %reduce_sum3A_184 [1] : vector<1000x32xf32> to vector<1000xf32>
    %broadcast_in_dim3A_186 = vector.shape_cast %reduce_sum3A_185 : vector<1000xf32> to vector<1000x1xf32>
    %get3A_187 = arith.constant 0 : index
    %get3A_188 = arith.constant 0 : index
    %get3A_189 = vector.load %arg21[%get3A_187, %get3A_188] : memref<1x1xf32, #tpu.memory_space<vmem>>, vector<1x1xf32>
    %add3A_190 = vector.broadcast %get3A_189 : vector<1x1xf32> to vector<1000x1xf32>
    %add3A_191 = arith.addf %broadcast_in_dim3A_186, %add3A_190 : vector<1000x1xf32>
    %gt3A = arith.constant 0.000000e+00 : f32
    %gt3A_192 = vector.broadcast %gt3A : f32 to vector<1000x1xf32>
    %gt3A_193 = arith.cmpf ogt, %get3A_10, %gt3A_192 : vector<1000x1xf32>
    %gt3A_194 = arith.constant 2.000000e-01 : f32
    %gt3A_195 = vector.broadcast %gt3A_194 : f32 to vector<1000x1xf32>
    %gt3A_196 = arith.cmpf ogt, %get3A_19, %gt3A_195 : vector<1000x1xf32>
    %and3A_197 = arith.andi %gt3A_193, %gt3A_196 : vector<1000x1xi1>
    %tanh3A = math.tanh %get3A_1 : vector<1000x128xf32>
    %mul3A_198 = vector.broadcast %add3A_191 : vector<1000x1xf32> to vector<1000x128xf32>
    %mul3A_199 = arith.mulf %mul3A_198, %tanh3A : vector<1000x128xf32>
    %jit3A_200 = arith.constant 0.000000e+00 : f32
    %broadcast_in_dim3A_201 = vector.shape_cast %and3A_197 : vector<1000x1xi1> to vector<1000x1xi1>
    %broadcast_in_dim3A_202 = vector.broadcast %broadcast_in_dim3A_201 : vector<1000x1xi1> to vector<1000x128xi1>
    %broadcast_in_dim3A_203 = vector.broadcast %jit3A_200 : f32 to vector<1000x128xf32>
    %select_n3A_204 = arith.select %broadcast_in_dim3A_202, %mul3A_199, %broadcast_in_dim3A_203 : vector<1000x128xi1>, vector<1000x128xf32>
    %add3A_205 = arith.addf %get3A_1, %select_n3A_204 : vector<1000x128xf32>
    %swap3A = arith.constant 0 : index
    %swap3A_206 = arith.constant 0 : index
    %swap3A_207 = vector.load %arg22[%swap3A, %swap3A_206] : memref<1000x128xf32, #tpu.memory_space<vmem>>, vector<1000x128xf32>
    tpu.vector_store %arg22[%swap3A, %swap3A_206], %add3A_205 {strides = array<i32>} : memref<1000x128xf32, #tpu.memory_space<vmem>>, vector<1000x128xf32>,
    %mul3A_208 = arith.mulf %select_n3A_93, %get3A_10 : vector<1000x1xf32>
    %swap3A_209 = arith.constant 0 : index
    %swap3A_210 = arith.constant 0 : index
    %swap3A_211 = vector.load %arg23[%swap3A_209, %swap3A_210] : memref<1000x1xf32, #tpu.memory_space<vmem>>, vector<1000x1xf32>
    tpu.vector_store %arg23[%swap3A_209, %swap3A_210], %mul3A_208 {strides = array<i32>} : memref<1000x1xf32, #tpu.memory_space<vmem>>, vector<1000x1xf32>,
    %mul3A_212 = arith.mulf %select_n3A_99, %get3A_10 : vector<1000x1xf32>
    %swap3A_213 = arith.constant 0 : index
    %swap3A_214 = arith.constant 0 : index
    %swap3A_215 = vector.load %arg24[%swap3A_213, %swap3A_214] : memref<1000x1xf32, #tpu.memory_space<vmem>>, vector<1000x1xf32>
    tpu.vector_store %arg24[%swap3A_213, %swap3A_214], %mul3A_212 {strides = array<i32>} : memref<1000x1xf32, #tpu.memory_space<vmem>>, vector<1000x1xf32>,
    %mul3A_216 = arith.mulf %get3A_19, %get3A_10 : vector<1000x1xf32>
    %swap3A_217 = arith.constant 0 : index
    %swap3A_218 = arith.constant 0 : index
    %swap3A_219 = vector.load %arg25[%swap3A_217, %swap3A_218] : memref<1000x1xf32, #tpu.memory_space<vmem>>, vector<1000x1xf32>
    tpu.vector_store %arg25[%swap3A_217, %swap3A_218], %mul3A_216 {strides = array<i32>} : memref<1000x1xf32, #tpu.memory_space<vmem>>, vector<1000x1xf32>,
    %mul3A_220 = arith.mulf %logistic3A_140, %get3A_10 : vector<1000x1xf32>
    %swap3A_221 = arith.constant 0 : index
    %swap3A_222 = arith.constant 0 : index
    %swap3A_223 = vector.load %arg26[%swap3A_221, %swap3A_222] : memref<1000x1xf32, #tpu.memory_space<vmem>>, vector<1000x1xf32>
    tpu.vector_store %arg26[%swap3A_221, %swap3A_222], %mul3A_220 {strides = array<i32>} : memref<1000x1xf32, #tpu.memory_space<vmem>>, vector<1000x1xf32>,
    return
  }
  func.func @transform_0(%arg0: i32) -> (i32, i32) {
    %c0_i32 = arith.constant 0 : i32
    %c0_i32_0 = arith.constant 0 : i32
    return %arg0, %c0_i32 : i32, i32
  }
  func.func @transform_1(%arg0: i32) -> (i32, i32) {
    %c0_i32 = arith.constant 0 : i32
    %c0_i32_0 = arith.constant 0 : i32
    return %arg0, %c0_i32 : i32, i32
  }
  func.func @transform_2(%arg0: i32) -> (i32, i32) {
    %c0_i32 = arith.constant 0 : i32
    %c0_i32_0 = arith.constant 0 : i32
    return %arg0, %c0_i32 : i32, i32
  }
  func.func @transform_3(%arg0: i32) -> (i32, i32) {
    %c0_i32 = arith.constant 0 : i32
    %c0_i32_0 = arith.constant 0 : i32
    return %arg0, %c0_i32 : i32, i32
  }
  func.func @transform_4(%arg0: i32) -> (i32, i32) {
    %c0_i32 = arith.constant 0 : i32
    %c0_i32_0 = arith.constant 0 : i32
    return %arg0, %c0_i32 : i32, i32
  }
  func.func @transform_5(%arg0: i32) -> (i32, i32) {
    %c0_i32 = arith.constant 0 : i32
    %c0_i32_0 = arith.constant 0 : i32
    return %arg0, %c0_i32 : i32, i32
  }
  func.func @transform_6(%arg0: i32) -> (i32, i32) {
    %c0_i32 = arith.constant 0 : i32
    %c0_i32_0 = arith.constant 0 : i32
    return %arg0, %c0_i32 : i32, i32
  }
  func.func @transform_7(%arg0: i32) -> (i32, i32) {
    %c0_i32 = arith.constant 0 : i32
    %c0_i32_0 = arith.constant 0 : i32
    %c0_i32_1 = arith.constant 0 : i32
    return %c0_i32, %c0_i32_0 : i32, i32
  }
  func.func @transform_8(%arg0: i32) -> (i32, i32) {
    %c0_i32 = arith.constant 0 : i32
    %c0_i32_0 = arith.constant 0 : i32
    %c0_i32_1 = arith.constant 0 : i32
    return %c0_i32, %c0_i32_0 : i32, i32
  }
  func.func @transform_9(%arg0: i32) -> (i32, i32) {
    %c0_i32 = arith.constant 0 : i32
    %c0_i32_0 = arith.constant 0 : i32
    %c0_i32_1 = arith.constant 0 : i32
    return %c0_i32, %c0_i32_0 : i32, i32
  }
  func.func @transform_10(%arg0: i32) -> (i32, i32) {
    %c0_i32 = arith.constant 0 : i32
    %c0_i32_0 = arith.constant 0 : i32
    %c0_i32_1 = arith.constant 0 : i32
    return %c0_i32, %c0_i32_0 : i32, i32
  }
  func.func @transform_11(%arg0: i32) -> (i32, i32) {
    %c0_i32 = arith.constant 0 : i32
    %c0_i32_0 = arith.constant 0 : i32
    %c0_i32_1 = arith.constant 0 : i32
    return %c0_i32, %c0_i32_0 : i32, i32
  }
  func.func @transform_12(%arg0: i32) -> (i32, i32) {
    %c0_i32 = arith.constant 0 : i32
    %c0_i32_0 = arith.constant 0 : i32
    %c0_i32_1 = arith.constant 0 : i32
    return %c0_i32, %c0_i32_0 : i32, i32
  }
  func.func @transform_13(%arg0: i32) -> (i32, i32) {
    %c0_i32 = arith.constant 0 : i32
    %c0_i32_0 = arith.constant 0 : i32
    %c0_i32_1 = arith.constant 0 : i32
    return %c0_i32, %c0_i32_0 : i32, i32
  }
  func.func @transform_14(%arg0: i32) -> (i32, i32) {
    %c0_i32 = arith.constant 0 : i32
    %c0_i32_0 = arith.constant 0 : i32
    %c0_i32_1 = arith.constant 0 : i32
    return %c0_i32, %c0_i32_0 : i32, i32
  }
  func.func @transform_15(%arg0: i32) -> (i32, i32) {
    %c0_i32 = arith.constant 0 : i32
    %c0_i32_0 = arith.constant 0 : i32
    %c0_i32_1 = arith.constant 0 : i32
    return %c0_i32, %c0_i32_0 : i32, i32
  }
  func.func @transform_16(%arg0: i32) -> (i32, i32) {
    %c0_i32 = arith.constant 0 : i32
    %c0_i32_0 = arith.constant 0 : i32
    %c0_i32_1 = arith.constant 0 : i32
    return %c0_i32, %c0_i32_0 : i32, i32
  }
  func.func @transform_17(%arg0: i32) -> (i32, i32) {
    %c0_i32 = arith.constant 0 : i32
    %c0_i32_0 = arith.constant 0 : i32
    %c0_i32_1 = arith.constant 0 : i32
    return %c0_i32, %c0_i32_0 : i32, i32
  }
  func.func @transform_18(%arg0: i32) -> (i32, i32) {
    %c0_i32 = arith.constant 0 : i32
    %c0_i32_0 = arith.constant 0 : i32
    %c0_i32_1 = arith.constant 0 : i32
    return %c0_i32, %c0_i32_0 : i32, i32
  }
  func.func @transform_19(%arg0: i32) -> (i32, i32) {
    %c0_i32 = arith.constant 0 : i32
    %c0_i32_0 = arith.constant 0 : i32
    %c0_i32_1 = arith.constant 0 : i32
    return %c0_i32, %c0_i32_0 : i32, i32
  }
  func.func @transform_20(%arg0: i32) -> (i32, i32) {
    %c0_i32 = arith.constant 0 : i32
    %c0_i32_0 = arith.constant 0 : i32
    %c0_i32_1 = arith.constant 0 : i32
    return %c0_i32, %c0_i32_0 : i32, i32
  }
  func.func @transform_21(%arg0: i32) -> (i32, i32) {
    %c0_i32 = arith.constant 0 : i32
    %c0_i32_0 = arith.constant 0 : i32
    return %arg0, %c0_i32 : i32, i32
  }
  func.func @transform_22(%arg0: i32) -> (i32, i32) {
    %c0_i32 = arith.constant 0 : i32
    %c0_i32_0 = arith.constant 0 : i32
    return %arg0, %c0_i32 : i32, i32
  }
  func.func @transform_23(%arg0: i32) -> (i32, i32) {
    %c0_i32 = arith.constant 0 : i32
    %c0_i32_0 = arith.constant 0 : i32
    return %arg0, %c0_i32 : i32, i32
  }
  func.func @transform_24(%arg0: i32) -> (i32, i32) {
    %c0_i32 = arith.constant 0 : i32
    %c0_i32_0 = arith.constant 0 : i32
    return %arg0, %c0_i32 : i32, i32
  }
  func.func @transform_25(%arg0: i32) -> (i32, i32) {
    %c0_i32 = arith.constant 0 : i32
    %c0_i32_0 = arith.constant 0 : i32
    return %arg0, %c0_i32 : i32, i32
  }
}

</mosaic_0001>

<sc_bundles>
// kernel: kernel.4.cloned.1.call-start
scs
__scs_entry_jumppad:
0x0: {  	(pc) =	sbr.rel $0x88, $3  }
0x1: {  	(tag) =	ssettag $0x0;
	lr =	simm.s32 $0x1  }
0x2: {  	[smem:$0x3F92] =	sst lr;
	_ =	strace $0xD0000000  }
0x3: {  	_ = 	snop  }
0x4: {  	_ = 	snop  }
0x5: {  	_ = 	snop  }
0x6: {  	_ = 	snop  }
0x7: {  	_ = 	snop  }
__scs_overlays_trampoline_lowered:
0x8: {  	[smem:$0x3FA1] =	sst s0  }
0x9: {  	[smem:$0x3FA2] =	sst s1  }
0xa: {  	[smem:$0x3FA3] =	sst s2  }
0xb: {  	[smem:$0x3FA4] =	sst s3  }
0xc: {  	[smem:$0x3FA5] =	sst s4  }
0xd: {  	[smem:$0x3FA6] =	sst s5  }
0xe: {  	[smem:$0x3FA7] =	sst s6  }
0xf: {  	[smem:$0x3FA8] =	sst s7  }
0x10: {  	[smem:$0x3FA9] =	sst s8  }
0x11: {  	[smem:$0x3FAA] =	sst s9;
	s0 =	simm.s32 @!p0 $0x0  }
0x12: {  	s1 =	sld [smem:$0x3F90];
	s0 =	simm.s32 @p0 $0x1  }
0x13: {  	[smem:$0x3FAB] =	sst s0;
	s0 =	simm.s32 @!p1 $0x0  }
0x14: {  	s2 =	sld [smem:$0x3F8F];
	s0 =	simm.s32 @p1 $0x1  }
0x15: {  	[smem:$0x3FAC] =	sst s0;
	s0 =	simm.s32 @!p2 $0x0  }
0x16: {  	s3 =	sld [smem:$0x3FDB];
	s0 =	simm.s32 @p2 $0x1  }
0x17: {  	s4 =	simm.s32 $0x1BF5;
	[smem:$0x3FAE] =	sst s0  }
0x18: {  	s0 =	sld [smem:$0x3F91];
	_ =	swait.ge [sflag:s4], $0x0  }
0x19: {  	s7 =	sld [smem:$0x3F92]  }
0x1a: {  	s8 =	sadd.s32 $0xFFFFE003, lr  }
0x1b: {  	s9 =	sadd.s32 $0xFFFFFEF7, lr;
	s5 =	simm.s32 $0xFFFFFFFF;
	p2 =	slt.u32 s8, $0xFFFFF086  }
0x1c: {  	p1 =	slt.u32 s9, $0xF7A;
	s5 =	simm.s32 @!p2 $0x0  }
0x1d: {  	s5 =	simm.s32 @p1 $0x1;
	p0 =	seq.s32 s7, s2  }
0x1e: {  	s7 =	smul.u32 @!p0 $0xF7A, s2;
	p2 =	seq.s32 @!p0 s5, $0x0  }
0x1f: {  	s9 =	smul.u32 $0xF7A, s1;
	s8 =	simm.s32 @!p0 $0x1BF5;
	p2 =	por !p2, p0  }
0x20: {  	[sflag:s8] =	ssyncset.s32 @!p0 $0xFFFFF086;
	s6 =	sadd.s32 @!p0 s3, s7;
	s7 =	simm.s32 @!p0 $0x108  }
0x21: {  	s3 =	sadd.s32 s3, s9;
	s6 =	sadd.s32 @!p0 $0x88, s6;
	s7 =	simm.s32 @p2 $0x1082  }
0x22: {  	[simem:s7], [sflag:s8] =	dma.local @!p0 [hbm:s6], $0xF7A  }
0x23: {  	s9 =	sor.u32 $0xD0000000, s2;
	s6 =	simm.s32 $0x108;
	_ =	swait.ge @!p0 [sflag:s8], $0x0  }
0x24: {  	s3 =	sadd.s32 $0x88, s3;
	s6 =	simm.s32 @!p1 $0x1082;
	[sflag:s4] =	ssyncset.s32 $0xFFFFF086  }
0x25: {  	[simem:s6], [sflag:s4] =	dma.local [hbm:s3], $0xF7A  }
0x26: {  	[smem:$0x3F92] =	sst s1;
	(tag) =	ssettag s2;
	_ =	strace s9  }
0x27: {  	s1 =	sld [smem:$0x3FA2]  }
0x28: {  	s2 =	sld [smem:$0x3FA3]  }
0x29: {  	s4 =	sld [smem:$0x3FA5]  }
0x2a: {  	p0 =	seq.s32 s5, $0x0;
	s5 =	sld [smem:$0x3FA6]  }
0x2b: {  	s6 =	sld [smem:$0x3FA7]  }
0x2c: {  	s7 =	sld [smem:$0x3FA8]  }
0x2d: {  	s3 =	simm.s32 $0x108;
	s8 =	sld [smem:$0x3FA9]  }
0x2e: {  	s3 =	simm.s32 @!p0 $0x1082;
	s9 =	sld [smem:$0x3FAA]  }
0x2f: {  	lr =	sadd.s32 s0, s3;
	s0 =	sld [smem:$0x3FA1]  }
0x30: {  	s3 =	sld [smem:$0x3FA4]  }
0x31: {  	[smem:$0x3FAD] =	sst s10  }
0x32: {  	s10 =	sld [smem:$0x3FAB];
	_ =	sdelay $0x3  }
0x33: {  	p0 =	seq.s32 s10, $0x1;
	s10 =	sld [smem:$0x3FAD];
	_ =	sdelay $0x3  }
0x34: {  	[smem:$0x3FAD] =	sst s10  }
0x35: {  	s10 =	sld [smem:$0x3FAC];
	_ =	sdelay $0x3  }
0x36: {  	p1 =	seq.s32 s10, $0x1;
	s10 =	sld [smem:$0x3FAD];
	_ =	sdelay $0x3  }
0x37: {  	[smem:$0x3FAD] =	sst s10  }
0x38: {  	s10 =	sld [smem:$0x3FAE]  }
0x39: {  	_ = 	snop;
	(pc) =	sbr.ind lr, $3  }
0x3a: {  	_ = 	snop  }
0x3b: {  	_ = 	snop  }
0x3c: {  	p2 =	seq.s32 s10, $0x1;
	s10 =	sld [smem:$0x3FAD]  }
0x3d: {  	_ =	shalt  }
0x3e: {  	_ =	shalt  }
0x3f: {  	_ =	shalt  }
0x40: {  	_ =	shalt  }
0x41: {  	_ =	shalt  }
0x42: {  	_ =	shalt  }
0x43: {  	_ =	shalt  }
0x44: {  	_ =	shalt  }
0x45: {  	_ =	shalt  }
0x46: {  	_ =	shalt  }
0x47: {  	_ =	shalt  }
0x48: {  	_ =	shalt  }
0x49: {  	_ =	shalt  }
0x4a: {  	_ =	shalt  }
0x4b: {  	_ =	shalt  }
0x4c: {  	_ =	shalt  }
0x4d: {  	_ =	shalt  }
0x4e: {  	_ =	shalt  }
0x4f: {  	_ =	shalt  }
0x50: {  	_ =	shalt  }
0x51: {  	_ =	shalt  }
0x52: {  	_ =	shalt  }
0x53: {  	_ =	shalt  }
0x54: {  	_ =	shalt  }
0x55: {  	_ =	shalt  }
0x56: {  	_ =	shalt  }
0x57: {  	_ =	shalt  }
0x58: {  	_ =	shalt  }
0x59: {  	_ =	shalt  }
0x5a: {  	_ =	shalt  }
0x5b: {  	_ =	shalt  }
0x5c: {  	_ =	shalt  }
0x5d: {  	_ =	shalt  }
0x5e: {  	_ =	shalt  }
0x5f: {  	_ =	shalt  }
0x60: {  	_ =	shalt  }
0x61: {  	_ =	shalt  }
0x62: {  	_ =	shalt  }
0x63: {  	_ =	shalt  }
0x64: {  	_ =	shalt  }
0x65: {  	_ =	shalt  }
0x66: {  	_ =	shalt  }
0x67: {  	_ =	shalt  }
0x68: {  	_ =	shalt  }
0x69: {  	_ =	shalt  }
0x6a: {  	_ =	shalt  }
0x6b: {  	_ =	shalt  }
0x6c: {  	_ =	shalt  }
0x6d: {  	_ =	shalt  }
0x6e: {  	_ =	shalt  }
0x6f: {  	_ =	shalt  }
0x70: {  	_ =	shalt  }
0x71: {  	_ =	shalt  }
0x72: {  	_ =	shalt  }
0x73: {  	_ =	shalt  }
0x74: {  	_ =	shalt  }
0x75: {  	_ =	shalt  }
0x76: {  	_ =	shalt  }
0x77: {  	_ =	shalt  }
0x78: {  	_ =	shalt  }
0x79: {  	_ =	shalt  }
0x7a: {  	_ =	shalt  }
0x7b: {  	_ =	shalt  }
0x7c: {  	_ =	shalt  }
0x7d: {  	_ =	shalt  }
0x7e: {  	_ =	shalt  }
0x7f: {  	_ =	shalt  }
0x80: {  	_ =	shalt  }
0x81: {  	_ =	shalt  }
0x82: {  	_ =	shalt  }
0x83: {  	_ =	shalt  }
0x84: {  	_ =	shalt  }
0x85: {  	_ =	shalt  }
0x86: {  	_ =	shalt  }
0x87: {  	_ =	shalt  }
.Lfunc_end0:
.L_simem_size_0:
called_computation_lowered:
.L_overlay_start_0:
0x88: {  	s0 =	sld [smem:$0x3FD9]  }
0x89: {  	s1 =	sld [smem:$0x3FFE];
	_ =	sdelay $0x3  }
0x8a: {  	s0 =	sadd.s32 s1, s0  }
0x8b: {  	[smem:$0x3FB9] =	sst s0  }
0x8c: {  	_ = 	snop  }
0x8d: {  	s0 =	sld [smem:$0x3FD0];
	_ =	sdelay $0x2  }
0x8e: {  	s2 =	simm.s32 $0xA;
	s3 =	simm.s32 $0x10;
	s13 =	sld [smem:$0x3FC9]  }
0x8f: {  	[smem:s3], [sflag:s2] =	dma.local [hbm:s0], $0x1  }
0x90: {  	_ =	swait.eq [sflag:s2], $0x1  }
0x91: {  	s14 =	sld [smem:$0x10]  }
0x92: {  	s15 =	sld [smem:$0x11]  }
0x93: {  	s4 =	sld [smem:$0x12];
	[sflag:s2] =	ssyncset.done $0x0  }
0x94: {  	s5 =	sld [smem:$0x13];
	[sflag:s2] =	ssyncadd.s32 $0xFFFFFFFF  }
0x95: {  	s16 =	sld [smem:$0x14];
	(tm) =	ssettm $0x1  }
0x96: {  	s6 =	sld [smem:$0x3FFB];
	_ =	sdelay $0x3  }
0x97: {  	_ =	strace s6  }
0x98: {  	s6 =	sld [smem:$0x3FFC];
	_ =	sdelay $0x3  }
0x99: {  	_ =	strace s6  }
0x9a: {  	s6 =	sld [smem:$0x3FFD];
	_ =	sdelay $0x3  }
0x9b: {  	_ =	strace s6  }
0x9c: {  	_ =	strace $0x8FFFFFFF  }
0x9d: {  	s17 =	sld [smem:$0x3FDB];
	_ =	sdelay $0x1  }
0x9e: {  	s7 =	simm.s32 $_scs_section_size  }
0x9f: {  	s8 =	simm.s32 $_size__tile_overlayer_lowered;
	s9 =	simm.s32 $_tile_overlayer_lowered  }
0xa0: {  	s20 =	simm.s32 $0x1BFF;
	s19 =	sshll.u32 s9, $0x1;
	s6 =	sadd.s32 s7, s17  }
0xa1: {  	s10 =	simm.s32 $0x0;
	s18 =	sshll.u32 s8, $0x1;
	s8 =	sadd.s32 s19, s6  }
0xa2: {  	[timem:s10], [sflag:s20] =	dma.local [hbm:s8], s18  }
0xa3: {  	_ =	swait.ge [sflag:s20], s18  }
0xa4: {  	s7 =	ssub.s32 $0x0, s18;
	[sflag:s20] =	ssyncset.done $0x0  }
0xa5: {  	[sflag:s20] =	ssyncadd.s32 s7;
	_ =	sdelay $0x1  }
0xa6: {  	s21 =	simm.s32 $0x1B8B  }
0xa7: {  	_ =	swait.ge [sflag:s21], $0x1  }
0xa8: {  	[sflag:s21] =	ssyncset.done $0x0  }
0xa9: {  	s23 =	simm.s32 $0x1B8E;
	s22 =	sld [smem:$0x3FFE];
	[sflag:s21] =	ssyncadd.s32 $0xFFFFFFFF  }
0xaa: {  	s24 =	simm.s32 $execute0_lowered;
	[smem:$0x3FD2] =	sst s23  }
0xab: {  	s8 =	sshll.u32 s24, $0x1;
	_ =	strace $0x80000046;
	[dreg:$0x1] =	wrdreg $0xFFFFFFFF  }
0xac: {  	s25 =	simm.s32 $_size_execute0_lowered;
	s6 =	sadd.s32 s6, s8;
	[dreg:$0x0] =	wrdreg $0x0  }
0xad: {  	s8 =	sshll.u32 s25, $0x1;
	[dreg:$0x2] =	wrdreg s6  }
0xae: {  	[dreg:$0x3] =	wrdreg s8  }
0xaf: {  	[dreg:$0x4] =	wrdreg $0xC0  }
0xb0: {  	_ =	task [dreg:s10], $0x5FFFF  }
0xb1: {  	[dreg:$0x1] =	wrdreg $0xFFFFFFFF  }
0xb2: {  	[dreg:$0x0] =	wrdreg $0x60  }
0xb3: {  	[dreg:$0x2] =	wrdreg s22  }
0xb4: {  	[dreg:$0x3] =	wrdreg s14  }
0xb5: {  	[dreg:$0x4] =	wrdreg s16  }
0xb6: {  	[dreg:$0x5] =	wrdreg s5  }
0xb7: {  	[dreg:$0x6] =	wrdreg s4  }
0xb8: {  	[dreg:$0x7] =	wrdreg s15  }
0xb9: {  	[dreg:$0x8] =	wrdreg s13  }
0xba: {  	[dreg:$0x9] =	wrdreg $0x1A6800  }
0xbb: {  	[dreg:$0xa] =	wrdreg $0x1CE800  }
0xbc: {  	[dreg:$0xb] =	wrdreg $0x9  }
0xbd: {  	_ =	task.clear_ibuf [dreg:s10], $0xCFFFF;
	_ =	strace $0x90000046  }
0xbe: {  	s26 =	simm.s32 $0x9;
	_ =	strace $0x80000048  }
0xbf: {  	_ =	swait.ge [sflag:s26], $0x1  }
0xc0: {  	[sflag:s26] =	ssyncadd.s32 $0xFFFFFFFF  }
0xc1: {  	_ =	strace $0x90000048  }
0xc2: {  	_ =	sfence  }
0xc3: {  	s28 =	sld [smem:$0x0];
	_ =	sdelay $0x1  }
0xc4: {  	s29 =	srdreg.scid  }
0xc5: {  	s30 =	sshll.u32 s29, $0xD;
	s31 =	sshrl.u32 s29, $0x2  }
0xc6: {  	s1 =	sand.u32 $0x1, s29;
	s2 =	sand.u32 $0x4000, s30;
	s0 =	sadd.s32 s31, s28  }
0xc7: {  	s1 =	sor.u32 s2, s1;
	s0 =	sshll.u32 s0, $0x11  }
0xc8: {  	s0 =	sor.u32 s0, s1  }
0xc9: {  	s0 =	sadd.s32 $0x8F2B, s0  }
0xca: {  	[sflag:s0] =	ssyncadd.remote.s32 $0x1  }
0xcb: {  	_ =	sfence.sel $0xFFFF  }
0xcc: {  	[dreg:$0x0] =	wrdreg $0xFFFFFFFF;
	(pc) =	sbr.abs _section_cstart, $3  }
0xcd: {  	[dreg:$0x1] =	wrdreg $0xFFFFFFFF  }
0xce: {  	_ =	task.clear_ibuf [dreg:s10], $0x2FFFF;
	_ =	strace $0x9FFFFFFF  }
0xcf: {  	(tm) =	ssettm $0x7FFFFFFF  }
tec
execute0_lowered:
.L_overlay_start_1:
0x0: {  	(tag) =	ssettag $0x1  }
0x1: {  	s13 =	rddreg [dreg:$0x0]  }
0x2: {  	s14 =	rddreg [dreg:$0x1]  }
0x3: {  	s3 =	rddreg [dreg:$0x2]  }
0x4: {  	s4 =	rddreg [dreg:$0x3]  }
0x5: {  	s6 =	rddreg [dreg:$0x4]  }
0x6: {  	s7 =	rddreg [dreg:$0x5]  }
0x7: {  	s2 =	rddreg [dreg:$0x6]  }
0x8: {  	s11 =	rddreg [dreg:$0x7]  }
0x9: {  	s12 =	rddreg [dreg:$0x8]  }
0xa: {  	s0 =	rddreg [dreg:$0x9];
	s15 =	simm.s32 $0x0  }
0xb: {  	s1 =	stileid.u32;
	[smem:$0x7FF] =	sst s15  }
0xc: {  	s5 =	simm.s32 $0x7000;
	s26 =	simm.s32 $0x9800;
	_ =	strace $0x80000047  }
0xd: {  	[tilespmem:s5], [sflag:$0x3] =	stream.linear.gather [hbm4b:s3+s15], $0x2800, $0x38;
	[tilespmem:$0x1F680] =	vst v63  }
0xe: {  	s28 =	simm.s32 $0xC000;
	s30 =	simm.s32 $0xE800;
	s10 =	smul.u32 $0x280, s1  }
0xf: {  	[tilespmem:s26], [sflag:$0x3] =	stream.linear.gather [hbm4b:s4+s15], $0x2800, $0x38;
	[tilespmem:$0x1F680] =	vst v63  }
0x10: {  	s31 =	simm.s32 $0x11000;
	s19 =	simm.s32 $0x0;
	s5 =	sshrl.u32 s10, $0x3  }
0x11: {  	[tilespmem:s28], [sflag:$0x3] =	stream.linear.gather [hbm4b:s6+s15], $0x2800, $0x38;
	[tilespmem:$0x1F680] =	vst v63  }
0x12: {  	s9 =	sadd.s32 $0xA400, s13;
	s8 =	sadd.s32 $0xAA00, s13;
	s29 =	sadd.s32 s5, s13  }
0x13: {  	[tilespmem:s30], [sflag:$0x3] =	stream.linear.gather [hbm4b:s7+s15], $0x2800, $0x38;
	[tilespmem:$0x1F680] =	vst v63  }
0x14: {  	s3 =	sadd.s32 $0x9E00, s29;
	s4 =	sadd.s32 $0xBC00, s13;
	s6 =	sadd.s32 $0xB600, s13  }
0x15: {  	[tilespmem:s31], [sflag:$0x3] =	stream.linear.gather [hbm4b:s3+s15], $0x280, $0x38;
	[tilespmem:$0x1F680] =	vst v63  }
0x16: {  	v0 =	vimm.s32 $0xFFFFFFFF;
	s7 =	sadd.s32 $0xB000, s13;
	s3 =	sadd.s32 $0x33C00, s13;
	s15 =	simm.s32 $0x40  }
.LBB2_1:
0x17: {  	p0 =	sne.s32 s15, $0x9FC0;
	[tilespmem:s19+$0x0] =	vst v0;
	s16 =	smov.u32 s15;
	s15 =	sadd.s32 $0x40, s15  }
.Ltmp0:
0x18: {  	[tilespmem:s19+$0x2800] =	vst v0;
	(pc) =	sbr.rel @p0 .LBB2_1-.Ltmp0, $2  }
0x19: {  	_ =	sdelay $0x2  }
0x1a: {  	s19 =	sshra.s32 s16, $0x2  }
0x1b: {  	s15 =	smul.u32 $0x4E20, s1  }
0x1c: {  	[tilespmem:s19+$0x0] =	vst v0;
	s16 =	simm.s32 $0x0;
	s17 =	simm.s32 $0x5000;
	s18 =	simm.s32 $0x4  }
0x1d: {  	[tilespmem:s19+$0x2800] =	vst v0;
	s19 =	simm.s32 $0x6000;
	s20 =	simm.s32 $0x2800;
	s21 =	simm.s32 $0x0  }
.LBB2_3:
0x1e: {  	s22 =	smul.u32 $0xFA0, s21;
	_ =	sdelay $0x1  }
0x1f: {  	s22 =	sadd.s32 s15, s22  }
0x20: {  	s22 =	sshrl.u32 s22, $0x3  }
0x21: {  	s23 =	sadd.s32 s13, s22  }
0x22: {  	[tilespmem:s17], [sflag:$0x4] =	stream.linear.gather [hbm4b:s23+s16], $0xFA0, $0x38;
	[tilespmem:$0x1F680] =	vst v63  }
0x23: {  	_ =	swait.ge [sflag:s18], $0xFA0  }
0x24: {  	[sflag:s18] =	ssyncset.done $0x0  }
0x25: {  	s22 =	sadd.s32 s14, s22;
	[sflag:s18] =	ssyncadd.s32 $0xFFFFF060  }
0x26: {  	[tilespmem:s19], [sflag:$0x4] =	stream.linear.gather [hbm4b:s22+s16], $0xFA0, $0x38;
	[tilespmem:$0x1F680] =	vst v63  }
0x27: {  	_ =	swait.ge [sflag:s18], $0xFA0  }
0x28: {  	[sflag:s18] =	ssyncset.done $0x0  }
0x29: {  	s23 =	simm.s32 $0x40;
	s22 =	simm.s32 $0x0;
	[sflag:s18] =	ssyncadd.s32 $0xFFFFF060  }
.LBB2_4:
0x2a: {  	p0 =	sne.s32 s23, $0x3E40;
	v0 =	vld [tilespmem:s22+$0x5000];
	_ =	sdelay $0x4  }
0x2b: {  	(xrf1) =	vunique.msk.u32 $0xffff, v0;
	_ =	sdelay $0x6  }
0x2c: {  	v1 =	vld.idx.msk [tilespmem:v0+s16+$0x0], $0xffff  }
0x2d: {  	v2 =	vld.idx.msk [tilespmem:v0+s20+$0x0], $0xffff;
	_ =	sdelay $0x5  }
0x2e: {  	vm0 =	vge.s32 v1, $0x0;
	vm1 =	vlt.s32 v1, $0x0;
	vm2 =	vlt.s32 v2, $0x0;
	_, v1, _ =	vpop (xrf1)  }
0x2f: {  	vm0 =	vmand vm2, vm0;
	vm3 =	veq.s32 v1, $0x1;
	vm2 =	veq.s32 v1, $0x2  }
0x30: {  	vm4 =	vmand vm1, vm3;
	vm0 =	vmand vm3, vm0;
	vm1 =	vmand vm1, vm2  }
0x31: {  	v1 =	vld [tilespmem:s22+$0x6000];
	vm0 =	vmor vm1, vm0;
	_ =	sdelay $0x1  }
.Ltmp1:
0x32: {  	(pc) =	sbr.rel @p0 .LBB2_4-.Ltmp1, $3  }
0x33: {  	_ =	sdelay $0x1  }
0x34: {  	[tilespmem:v0+s16+$0x0] =	vst.idx.msk vm4, v1  }
0x35: {  	s22 =	sshra.s32 s23, $0x2;
	s23 =	sadd.s32 $0x40, s23;
	[tilespmem:v0+s20+$0x0] =	vst.idx.msk vm0, v1  }
0x36: {  	v0 =	vld [tilespmem:s22+$0x5000];
	_ =	sdelay $0x4  }
0x37: {  	(xrf1) =	vunique.msk.u32 $0xffff, v0;
	_ =	sdelay $0x7  }
0x38: {  	v1 =	vld.idx.msk [tilespmem:v0+s16+$0x0], $0xffff  }
0x39: {  	v2 =	vld.idx.msk [tilespmem:v0+s20+$0x0], $0xffff;
	_ =	sdelay $0x4  }
0x3a: {  	vm0 =	vge.s32 v1, $0x0;
	vm1 =	vlt.s32 v1, $0x0;
	vm2 =	vlt.s32 v2, $0x0;
	_, v62, _ =	vpop (xrf1)  }
0x3b: {  	vm0 =	vmand vm2, vm0;
	vm3 =	veq.s32 v62, $0x1;
	vm15 =	veq.s32 v62, $0x2  }
0x3c: {  	vm4 =	vmand vm1, vm3;
	vm0 =	vmand vm3, vm0;
	vm1 =	vmand vm1, vm15  }
0x3d: {  	v63 =	vld [tilespmem:s22+$0x6000];
	s21 =	sadd.s32 $0x1, s21;
	vm0 =	vmor vm1, vm0  }
0x3e: {  	p0 =	sne.s32 s21, $0x5  }
.Ltmp2:
0x3f: {  	_ = 	snop;
	(pc) =	sbr.rel @p0 .LBB2_3-.Ltmp2, $3  }
0x40: {  	_ =	sdelay $0x1  }
0x41: {  	[tilespmem:v0+s16+$0x0] =	vst.idx.msk vm4, v63  }
0x42: {  	[tilespmem:v0+s20+$0x0] =	vst.idx.msk vm0, v63  }
0x43: {  	s13 =	sshrl.u32 s1, $0x3  }
0x44: {  	s14 =	sshll.u32 s1, $0x7;
	s13 =	smul.u32 $0x14000, s13  }
0x45: {  	s14 =	sand.u32 $0x380, s14  }
0x46: {  	s15 =	simm.s32 $0x80;
	s16 =	simm.s32 $0x400;
	s13 =	sor.u32 s14, s13  }
0x47: {  	s17 =	simm.s32 $0x0;
	s30 =	simm.s32 $0x4;
	s14 =	sadd.s32 s13, s11  }
0x48: {  	[spmem:s14] =	stream.strided.scatter [tilespmem:s17], [sflag:$0x4], $0x2800, s16, s15, $0x38;
	[tilespmem:$0x1F680] =	vst v63  }
0x49: {  	_ =	swait.ge [sflag:s30], $0x2800  }
0x4a: {  	[sflag:s30] =	ssyncset.done $0x0  }
0x4b: {  	s31 =	simm.s32 $0x2800;
	s13 =	sadd.s32 s13, s12;
	[sflag:s30] =	ssyncadd.s32 $0xFFFFD800  }
0x4c: {  	[spmem:s13] =	stream.strided.scatter [tilespmem:s31], [sflag:$0x4], $0x2800, s16, s15, $0x38;
	[tilespmem:$0x1F680] =	vst v63  }
0x4d: {  	_ =	swait.ge [sflag:s30], $0x2800  }
0x4e: {  	[sflag:s30] =	ssyncset.done $0x0  }
0x4f: {  	[sflag:s30] =	ssyncadd.s32 $0xFFFFD800  }
0x50: {  	v0 =	vimm.s32 $0xFFFFFFFF;
	s17 =	simm.s32 $0x0;
	s13 =	simm.s32 $0x40;
	[bflag:$0x0] =	sbarrier.arrive $0xFFFF  }
.LBB2_7:
0x51: {  	p0 =	sne.s32 s13, $0x9C0;
	[tilespmem:s17+$0x11780] =	vst v0;
	s14 =	smov.u32 s13;
	s13 =	sadd.s32 $0x40, s13  }
.Ltmp3:
0x52: {  	[tilespmem:s17+$0x11A00] =	vst v0;
	(pc) =	sbr.rel @p0 .LBB2_7-.Ltmp3, $2  }
0x53: {  	_ =	sdelay $0x2  }
0x54: {  	s17 =	sshra.s32 s14, $0x2  }
0x55: {  	s13 =	smul.u32 $0x1400, s1  }
0x56: {  	[tilespmem:s17+$0x11780] =	vst v0;
	s14 =	simm.s32 $0x0;
	s15 =	simm.s32 $0x80;
	s16 =	simm.s32 $0x400  }
0x57: {  	[tilespmem:s17+$0x11A00] =	vst v0;
	s17 =	simm.s32 $0x11280;
	s18 =	simm.s32 $0x4;
	s19 =	simm.s32 $0x11500  }
.LBB2_9:
0x58: {  	s20 =	sshrl.u32 s14, $0x3  }
0x59: {  	s20 =	smul.u32 $0x14000, s20  }
0x5a: {  	s21 =	sshll.u32 s14, $0x7  }
0x5b: {  	s21 =	sand.u32 $0x380, s21;
	s20 =	sadd.s32 s13, s20  }
0x5c: {  	s20 =	sor.u32 s21, s20  }
0x5d: {  	s21 =	sadd.s32 s20, s11  }
0x5e: {  	[tilespmem:s17], [sflag:$0x4] =	stream.strided.gather [spmem:s21], $0x280, s16, s15, $0x38;
	[tilespmem:$0x1F680] =	vst v63  }
0x5f: {  	_ =	swait.ge [sflag:s18], $0x280  }
0x60: {  	[sflag:s18] =	ssyncset.done $0x0  }
0x61: {  	s20 =	sadd.s32 s20, s12;
	[sflag:s18] =	ssyncadd.s32 $0xFFFFFD80  }
0x62: {  	[tilespmem:s19], [sflag:$0x4] =	stream.strided.gather [spmem:s20], $0x280, s16, s15, $0x38;
	[tilespmem:$0x1F680] =	vst v63  }
0x63: {  	_ =	swait.ge [sflag:s18], $0x280  }
0x64: {  	[sflag:s18] =	ssyncset.done $0x0  }
0x65: {  	s20 =	simm.s32 $0x0;
	[sflag:s18] =	ssyncadd.s32 $0xFFFFFD80  }
0x66: {  	v1 =	vld [tilespmem:s20+$0x11280]  }
0x67: {  	v0 =	vld [tilespmem:s20+$0x11A00]  }
0x68: {  	v2 =	vld [tilespmem:s20+$0x11780]  }
0x69: {  	v3 =	vld [tilespmem:s20+$0x11500];
	_ =	sdelay $0x2  }
0x6a: {  	vm0 =	vlt.s32 v0, $0x0  }
0x6b: {  	vm1 =	vlt.s32 v2, $0x0;
	v0 =	vsel vm0, v1, v0  }
0x6c: {  	s21 =	simm.s32 $0x10;
	v3 =	vsel vm1, v3, v0  }
0x6d: {  	s22 =	simm.s32 $0x80;
	v1 =	vsel vm1, v1, v2;
	v0 =	vld [tilespmem:s21+$0x11280];
	[tilespmem:s20+$0x11A00] =	vst v3  }
.LBB2_10:
0x6e: {  	p0 =	sne.s32 s22, $0x9C0;
	v2 =	vld [tilespmem:s21+$0x11A00];
	[tilespmem:s20+$0x11780] =	vst v1;
	s20 =	smov.u32 s21  }
0x6f: {  	v1 =	vld [tilespmem:s20+$0x11780]  }
0x70: {  	v3 =	vld [tilespmem:s20+$0x11500];
	_ =	sdelay $0x1  }
.Ltmp4:
0x71: {  	(pc) =	sbr.rel @p0 .LBB2_10-.Ltmp4, $4  }
0x72: {  	vm0 =	vlt.s32 v2, $0x0  }
0x73: {  	vm1 =	vlt.s32 v1, $0x0;
	v2 =	vsel vm0, v0, v2  }
0x74: {  	s21 =	sshra.s32 s22, $0x2;
	v1 =	vsel vm1, v0, v1;
	v2 =	vsel vm1, v3, v2  }
0x75: {  	s22 =	sadd.s32 $0x40, s22;
	v0 =	vld [tilespmem:s21+$0x11280];
	[tilespmem:s20+$0x11A00] =	vst v2  }
0x76: {  	v2 =	vld [tilespmem:s21+$0x11A00];
	[tilespmem:s20+$0x11780] =	vst v1  }
0x77: {  	v1 =	vld [tilespmem:s21+$0x11780]  }
0x78: {  	v3 =	vld [tilespmem:s21+$0x11500]  }
0x79: {  	s14 =	sadd.s32 $0x1, s14  }
0x7a: {  	p0 =	sne.s32 s14, $0x10  }
.Ltmp5:
0x7b: {  	vm0 =	vlt.s32 v2, $0x0;
	(pc) =	sbr.rel @p0 .LBB2_9-.Ltmp5, $4  }
0x7c: {  	vm1 =	vlt.s32 v1, $0x0;
	v2 =	vsel vm0, v0, v2  }
0x7d: {  	v2 =	vsel vm1, v3, v2  }
0x7e: {  	v63 =	vsel vm1, v0, v1;
	[tilespmem:s21+$0x11A00] =	vst v2  }
0x7f: {  	[tilespmem:s21+$0x11780] =	vst v63  }
0x80: {  	s11 =	simm.s32 $0x3  }
0x81: {  	_ =	swait.ge [sflag:s11], $0x2800  }
0x82: {  	[sflag:s11] =	ssyncset.done $0x0  }
0x83: {  	[sflag:s11] =	ssyncadd.s32 $0xFFFFD800  }
0x84: {  	_ =	swait.ge [sflag:s11], $0x2800  }
0x85: {  	[sflag:s11] =	ssyncset.done $0x0  }
0x86: {  	[sflag:s11] =	ssyncadd.s32 $0xFFFFD800  }
0x87: {  	_ =	swait.ge [sflag:s11], $0x2800  }
0x88: {  	[sflag:s11] =	ssyncset.done $0x0  }
0x89: {  	[sflag:s11] =	ssyncadd.s32 $0xFFFFD800  }
0x8a: {  	_ =	swait.ge [sflag:s11], $0x2800  }
0x8b: {  	[sflag:s11] =	ssyncset.done $0x0  }
0x8c: {  	[sflag:s11] =	ssyncadd.s32 $0xFFFFD800  }
0x8d: {  	_ =	swait.ge [sflag:s11], $0x280  }
0x8e: {  	[sflag:s11] =	ssyncset.done $0x0  }
0x8f: {  	[sflag:s11] =	ssyncadd.s32 $0xFFFFFD80;
	s11 =	simm.s32 $0x0  }
0x90: {  	v0 =	vld [tilespmem:s11+$0x11780]  }
0x91: {  	v1 =	vld [tilespmem:s11+$0x11A00]  }
0x92: {  	v2 =	vld [tilespmem:s11+$0x11000];
	_ =	sdelay $0x2  }
0x93: {  	vm0 =	vgt.s32 v0, $0x0  }
0x94: {  	v3 =	vnsel vm0, $0x0, v0;
	vm0 =	vlt.s32 v1, $0x0  }
0x95: {  	vm1 =	vgt.s32 v1, $0xFFFFFFFF;
	v4 =	vsel vm0, v3, v1;
	vm0 =	veq.s32 v2, $0x1  }
0x96: {  	s16 =	simm.s32 $0x0;
	s13 =	sadd.s32 $0x0, s10;
	v0 =	vimm.f32 $0.0e+00;
	[tilespmem:s11+$0x11780] =	vst v3;
	vm0 =	vmand vm1, vm0  }
0x97: {  	s13 =	sand.u32 $0x7F80, s13;
	s14 =	sand.u32 $0x70, s16;
	[tilespmem:s11+$0x11A00] =	vst v4;
	v1 =	vsel vm0, $0x3F800000, v0  }
0x98: {  	s15 =	sor.u32 s14, s13;
	[tilespmem:s11+$0x11C80] =	vst v1  }
0x99: {  	v2 =	vld [tilespmem:s15+$0x9800]  }
0x9a: {  	s12 =	simm.s32 $0x9800;
	v5 =	vld [tilespmem:s15+$0x7000]  }
0x9b: {  	s13 =	simm.s32 $0x7000;
	v6 =	vld.idx.msk [tilespmem:v3+s12+$0x0], $0xffff  }
0x9c: {  	v8 =	vld.idx.msk [tilespmem:v3+s13+$0x0], $0xffff  }
0x9d: {  	v1 =	vld.idx.msk [tilespmem:v4+s12+$0x0], $0xffff  }
0x9e: {  	s14 =	simm.s32 $0xC000;
	v7 =	vld.idx.msk [tilespmem:v4+s13+$0x0], $0xffff  }
0x9f: {  	v9 =	vld.idx.msk [tilespmem:v3+s14+$0x0], $0xffff  }
0xa0: {  	v11 =	vld [tilespmem:s15+$0xC000]  }
0xa1: {  	v10 =	vld.idx.msk [tilespmem:v4+s14+$0x0], $0xffff  }
0xa2: {  	v6 =	vsub.f32 v6, v2  }
0xa3: {  	v1 =	vsub.f32 v1, v2;
	v2 =	vsub.f32 v7, v5  }
0xa4: {  	v5 =	vsub.f32 v8, v5  }
0xa5: {  	v9 =	vsub.f32 v9, v11;
	v8 =	vmul.f32 v2, v2;
	v12 =	vmul.f32 v1, v1  }
0xa6: {  	v10 =	vsub.f32 v10, v11;
	v7 =	vmul.f32 v6, v6;
	v63 =	vmul.f32 v5, v5  }
0xa7: {  	v1 =	vmul.f32 v1, v6;
	v2 =	vmul.f32 v2, v5;
	v5 =	vadd.f32 v12, v8  }
0xa8: {  	v6 =	vadd.f32 v7, v63;
	v7 =	vmul.f32 v9, v9;
	v8 =	vmul.f32 v10, v10  }
0xa9: {  	v1 =	vadd.f32 v1, v2;
	v2 =	vmul.f32 v10, v9  }
0xaa: {  	v6 =	vadd.f32 v7, v6;
	v5 =	vadd.f32 v8, v5  }
0xab: {  	v1 =	vadd.f32 v2, v1  }
0xac: {  	v2 =	vmul.f32 v5, v6  }
0xad: {  	[tilespmem:s11+$0x11F00] =	vst v1  }
0xae: {  	[tilespmem:s11+$0x12180] =	vst v2  }
0xaf: {  	v1 =	vld [tilespmem:s15+$0xE800]  }
0xb0: {  	s15 =	simm.s32 $0xE800  }
0xb1: {  	v3 =	vld.idx.msk [tilespmem:v3+s15+$0x0], $0xffff;
	_ =	sdelay $0x1  }
0xb2: {  	v6 =	vld.idx.msk [tilespmem:v4+s15+$0x0], $0xffff  }
0xb3: {  	s17 =	simm.s32 $0x10;
	v2 =	vmul.f32 v1, v1  }
0xb4: {  	v4 =	vld [tilespmem:s17+$0x11780]  }
0xb5: {  	v5 =	vmul.f32 v3, v3;
	v1 =	vmul.f32 v2, v1  }
0xb6: {  	v2 =	vld [tilespmem:s17+$0x11A00]  }
0xb7: {  	v7 =	vmul.f32 v6, v6;
	v3 =	vmul.f32 v5, v3;
	v5 =	vld [tilespmem:s17+$0x11000];
	v8 =	vadd.f32 $9.999999960e-13, v1;
	_ =	sdelay $0x1  }
0xb8: {  	s18 =	simm.s32 $0x80;
	vm0 =	vgt.s32 v4, $0x0;
	v6 =	vmul.f32 v7, v6;
	(erf) = vrcp.f32 v8  }
.LBB2_13:
0xb9: {  	p0 =	sne.s32 s18, $0x9C0  }
0xba: {  	v4 =	vnsel vm0, $0x0, v4;
	vm0 =	vlt.s32 v2, $0x0;
	s16 =	sadd.s32 $0x10, s16;
	s19 =	smov.u32 s18;
	s18 =	sadd.s32 $0x40, s18  }
0xbb: {  	vm1 =	vgt.s32 v2, $0xFFFFFFFF;
	v7 =	vsel vm0, v4, v2;
	vm0 =	veq.s32 v5, $0x1  }
0xbc: {  	[tilespmem:s17+$0x11780] =	vst v4;
	vm0 =	vmand vm1, vm0  }
0xbd: {  	[tilespmem:s17+$0x11A00] =	vst v7;
	v2 =	vsel vm0, $0x3F800000, v0  }
0xbe: {  	[tilespmem:s17+$0x11C80] =	vst v2;
	v2 =	vadd.f32 v6, v3;
	_ =	sdelay $0x1  }
0xbf: {  	v1 =	vsub.f32 v2, v1;
	_ =	sdelay $0x1  }
0xc0: {  	v1 =	vand.u32 $0x7FFFFFFF, v1;
	v2 =	vpop (erf)  }
0xc1: {  	v1 =	vmul.f32 v2, v1  }
0xc2: {  	s20 =	sadd.s32 s16, s10  }
0xc3: {  	s21 =	sand.u32 $0x70, s16;
	s20 =	sand.u32 $0x7F80, s20;
	[tilespmem:s11+$0x12400] =	vst v1;
	s11 =	smov.u32 s17  }
0xc4: {  	s17 =	sor.u32 s21, s20;
	v1 =	vld.idx.msk [tilespmem:v7+s12+$0x0], $0xffff  }
0xc5: {  	v2 =	vld [tilespmem:s17+$0x9800]  }
0xc6: {  	v3 =	vld [tilespmem:s17+$0x7000]  }
0xc7: {  	v5 =	vld.idx.msk [tilespmem:v4+s12+$0x0], $0xffff  }
0xc8: {  	v6 =	vld.idx.msk [tilespmem:v7+s13+$0x0], $0xffff  }
0xc9: {  	v8 =	vld.idx.msk [tilespmem:v4+s13+$0x0], $0xffff  }
0xca: {  	v9 =	vld.idx.msk [tilespmem:v4+s14+$0x0], $0xffff;
	v1 =	vsub.f32 v1, v2  }
0xcb: {  	v10 =	vld.idx.msk [tilespmem:v7+s14+$0x0], $0xffff  }
0xcc: {  	v11 =	vld [tilespmem:s17+$0xC000]  }
0xcd: {  	v2 =	vsub.f32 v5, v2  }
0xce: {  	v5 =	vsub.f32 v6, v3  }
0xcf: {  	v3 =	vsub.f32 v8, v3;
	v6 =	vmul.f32 v1, v2;
	v2 =	vmul.f32 v2, v2  }
0xd0: {  	v1 =	vmul.f32 v1, v1;
	v8 =	vmul.f32 v5, v5  }
0xd1: {  	v9 =	vsub.f32 v9, v11;
	v10 =	vsub.f32 v10, v11;
	v11 =	vmul.f32 v3, v3  }
0xd2: {  	v3 =	vmul.f32 v5, v3;
	v1 =	vadd.f32 v1, v8  }
0xd3: {  	v2 =	vadd.f32 v2, v11;
	v5 =	vmul.f32 v9, v9;
	v8 =	vmul.f32 v10, v10  }
0xd4: {  	v3 =	vadd.f32 v6, v3;
	v6 =	vmul.f32 v10, v9  }
0xd5: {  	v2 =	vadd.f32 v5, v2;
	v1 =	vadd.f32 v8, v1  }
0xd6: {  	v3 =	vadd.f32 v6, v3  }
0xd7: {  	v1 =	vmul.f32 v1, v2  }
0xd8: {  	[tilespmem:s11+$0x11F00] =	vst v3  }
0xd9: {  	[tilespmem:s11+$0x12180] =	vst v1  }
0xda: {  	v1 =	vld [tilespmem:s17+$0xE800]  }
0xdb: {  	v3 =	vld.idx.msk [tilespmem:v4+s15+$0x0], $0xffff  }
0xdc: {  	v6 =	vld.idx.msk [tilespmem:v7+s15+$0x0], $0xffff;
	_ =	sdelay $0x2  }
0xdd: {  	s17 =	sshra.s32 s19, $0x2;
	v5 =	vmul.f32 v1, v1  }
0xde: {  	v4 =	vld [tilespmem:s17+$0x11780]  }
.Ltmp6:
0xdf: {  	v7 =	vmul.f32 v3, v3;
	v2 =	vld [tilespmem:s17+$0x11A00];
	v1 =	vmul.f32 v5, v1;
	(pc) =	sbr.rel @p0 .LBB2_13-.Ltmp6, $4  }
0xe0: {  	v8 =	vmul.f32 v6, v6;
	v5 =	vld [tilespmem:s17+$0x11000]  }
0xe1: {  	v3 =	vmul.f32 v7, v3;
	v7 =	vadd.f32 $9.999999960e-13, v1  }
0xe2: {  	v6 =	vmul.f32 v8, v6  }
0xe3: {  	vm0 =	vgt.s32 v4, $0x0;
	(erf) = vrcp.f32 v7  }
0xe4: {  	_ =	sdelay $0x3  }
0xe5: {  	v3 =	vadd.f32 v6, v3;
	_ =	sdelay $0x1  }
0xe6: {  	v4 =	vnsel vm0, $0x0, v4;
	vm14 =	vlt.s32 v2, $0x0;
	v1 =	vsub.f32 v3, v1  }
0xe7: {  	vm1 =	vgt.s32 v2, $0xFFFFFFFF;
	v43 =	vsel vm14, v4, v2;
	vm15 =	veq.s32 v5, $0x1  }
0xe8: {  	[tilespmem:s17+$0x11780] =	vst v4;
	vm0 =	vmand vm1, vm15;
	v1 =	vand.u32 $0x7FFFFFFF, v1;
	v44 =	vpop (erf)  }
0xe9: {  	s16 =	sadd.s32 $0x10, s16;
	[tilespmem:s17+$0x11A00] =	vst v43;
	v0 =	vsel vm0, $0x3F800000, v0;
	v1 =	vmul.f32 v44, v1  }
0xea: {  	s10 =	sadd.s32 s16, s10;
	[tilespmem:s17+$0x11C80] =	vst v0  }
0xeb: {  	s16 =	sand.u32 $0x70, s16;
	s10 =	sand.u32 $0x7F80, s10;
	[tilespmem:s11+$0x12400] =	vst v1  }
0xec: {  	s10 =	sor.u32 s16, s10;
	v0 =	vld.idx.msk [tilespmem:v43+s12+$0x0], $0xffff  }
0xed: {  	v1 =	vld [tilespmem:s10+$0x9800]  }
0xee: {  	v45 =	vld [tilespmem:s10+$0x7000]  }
0xef: {  	v46 =	vld.idx.msk [tilespmem:v4+s12+$0x0], $0xffff  }
0xf0: {  	v47 =	vld.idx.msk [tilespmem:v43+s13+$0x0], $0xffff  }
0xf1: {  	v7 =	vld.idx.msk [tilespmem:v4+s13+$0x0], $0xffff  }
0xf2: {  	v8 =	vld.idx.msk [tilespmem:v4+s14+$0x0], $0xffff  }
0xf3: {  	v10 =	vld [tilespmem:s10+$0xC000]  }
0xf4: {  	v9 =	vld.idx.msk [tilespmem:v43+s14+$0x0], $0xffff  }
0xf5: {  	v5 =	vsub.f32 v46, v1  }
0xf6: {  	v0 =	vsub.f32 v0, v1;
	v48 =	vsub.f32 v47, v45  }
0xf7: {  	v2 =	vsub.f32 v7, v45;
	v49 =	vmul.f32 v5, v5  }
0xf8: {  	v8 =	vsub.f32 v8, v10;
	v50 =	vmul.f32 v48, v48;
	v11 =	vmul.f32 v0, v0  }
0xf9: {  	v9 =	vsub.f32 v9, v10;
	v51 =	vmul.f32 v2, v2;
	v0 =	vmul.f32 v0, v5  }
0xfa: {  	v1 =	vmul.f32 v48, v2;
	v54 =	vmul.f32 v8, v8  }
0xfb: {  	v55 =	vmul.f32 v9, v9;
	v52 =	vadd.f32 v11, v50;
	v53 =	vadd.f32 v49, v51  }
0xfc: {  	v56 =	vmul.f32 v9, v8;
	v0 =	vadd.f32 v0, v1  }
0xfd: {  	v5 =	vadd.f32 v54, v53;
	v2 =	vadd.f32 v55, v52  }
0xfe: {  	v0 =	vadd.f32 v56, v0  }
0xff: {  	v57 =	vmul.f32 v2, v5  }
0x100: {  	[tilespmem:s17+$0x11F00] =	vst v0  }
0x101: {  	[tilespmem:s17+$0x12180] =	vst v57  }
0x102: {  	v0 =	vld [tilespmem:s10+$0xE800];
	_ =	sdelay $0x4  }
0x103: {  	v58 =	vmul.f32 v0, v0  }
0x104: {  	v59 =	vld.idx.msk [tilespmem:v4+s15+$0x0], $0xffff  }
0x105: {  	v3 =	vld.idx.msk [tilespmem:v43+s15+$0x0], $0xffff;
	v0 =	vmul.f32 v58, v0;
	_ =	sdelay $0x1  }
0x106: {  	v1 =	vadd.f32 $9.999999960e-13, v0;
	_ =	sdelay $0x1  }
0x107: {  	(erf) = vrcp.f32 v1  }
0x108: {  	v60 =	vmul.f32 v59, v59;
	v61 =	vmul.f32 v3, v3;
	_ =	sdelay $0x1  }
0x109: {  	v62 =	vmul.f32 v61, v3;
	v1 =	vmul.f32 v60, v59;
	_ =	sdelay $0x1  }
0x10a: {  	v1 =	vadd.f32 v62, v1;
	_ =	sdelay $0x1  }
0x10b: {  	v0 =	vsub.f32 v1, v0;
	_ =	sdelay $0x1  }
0x10c: {  	v0 =	vand.u32 $0x7FFFFFFF, v0;
	v63 =	vpop (erf)  }
0x10d: {  	v0 =	vmul.f32 v63, v0  }
0x10e: {  	s21 =	sadd.s32 s9, s5  }
0x10f: {  	s9 =	simm.s32 $0x0;
	s22 =	simm.s32 $0x11C80;
	s23 =	simm.s32 $0x4;
	[tilespmem:s17+$0x12400] =	vst v0  }
0x110: {  	[hbm4b:s21+s9] =	stream.linear.scatter [tilespmem:s22], [sflag:$0x4], $0x280, $0x38;
	[tilespmem:$0x1F680] =	vst v63  }
0x111: {  	_ =	swait.ge [sflag:s23], $0x280  }
0x112: {  	[sflag:s23] =	ssyncset.done $0x0  }
0x113: {  	s8 =	sadd.s32 s8, s5;
	s24 =	simm.s32 $0x11F00;
	[sflag:s23] =	ssyncadd.s32 $0xFFFFFD80  }
0x114: {  	[hbm4b:s8+s9] =	stream.linear.scatter [tilespmem:s24], [sflag:$0x4], $0x280, $0x38;
	[tilespmem:$0x1F680] =	vst v63  }
0x115: {  	_ =	swait.ge [sflag:s23], $0x280  }
0x116: {  	[sflag:s23] =	ssyncset.done $0x0  }
0x117: {  	s7 =	sadd.s32 s7, s5;
	s25 =	simm.s32 $0x12180;
	[sflag:s23] =	ssyncadd.s32 $0xFFFFFD80  }
0x118: {  	[hbm4b:s7+s9] =	stream.linear.scatter [tilespmem:s25], [sflag:$0x4], $0x280, $0x38;
	[tilespmem:$0x1F680] =	vst v63  }
0x119: {  	_ =	swait.ge [sflag:s23], $0x280  }
0x11a: {  	[sflag:s23] =	ssyncset.done $0x0  }
0x11b: {  	s26 =	sadd.s32 s6, s5;
	s28 =	simm.s32 $0x12400;
	[sflag:s23] =	ssyncadd.s32 $0xFFFFFD80  }
0x11c: {  	[hbm4b:s26+s9] =	stream.linear.scatter [tilespmem:s28], [sflag:$0x4], $0x280, $0x38;
	[tilespmem:$0x1F680] =	vst v63  }
0x11d: {  	_ =	swait.ge [sflag:s23], $0x280  }
0x11e: {  	s5 =	simm.s32 $0x80;
	s29 =	simm.s32 $0x11780;
	[sflag:s23] =	ssyncset.done $0x0  }
0x11f: {  	s30 =	simm.s32 $0x12680;
	s6 =	simm.s32 $0x2;
	[sflag:s23] =	ssyncadd.s32 $0xFFFFFD80  }
0x120: {  	[tilespmem:s30], [sflag:$0x2] =	stream.indirect.gather [hbm4b:s2+s5], $0x80, s29, s5, $0xb8;
	[tilespmem:$0x1F680] =	vst v63  }
0x121: {  	s31 =	smul.u32 $0x2800, s1;
	_ =	swait.ge [sflag:s6], $0x4000  }
0x122: {  	[sflag:s6] =	ssyncset.done $0x0  }
0x123: {  	s12 =	sadd.s32 s4, s31;
	[sflag:s6] =	ssyncadd.s32 $0xFFFFC000  }
0x124: {  	[hbm4b:s12+s9] =	stream.linear.scatter [tilespmem:s30], [sflag:$0x1], $0x4000, $0x38;
	[tilespmem:$0x1F680] =	vst v63  }
0x125: {  	s13 =	simm.s32 $0x11A00;
	s8 =	simm.s32 $0x16680  }
0x126: {  	[tilespmem:s8], [sflag:$0x2] =	stream.indirect.gather [hbm4b:s2+s5], $0x80, s13, s5, $0xb8;
	[tilespmem:$0x1F680] =	vst v63  }
0x127: {  	_ =	swait.ge [sflag:s6], $0x4000  }
0x128: {  	[sflag:s6] =	ssyncset.done $0x0  }
0x129: {  	s10 =	sadd.s32 s3, s31;
	[sflag:s6] =	ssyncadd.s32 $0xFFFFC000  }
0x12a: {  	[hbm4b:s10+s9] =	stream.linear.scatter [tilespmem:s8], [sflag:$0x1], $0x4000, $0x38;
	[tilespmem:$0x1F680] =	vst v63  }
0x12b: {  	s10 =	simm.s32 $0x1  }
0x12c: {  	_ =	swait.ge [sflag:s10], $0x4000  }
0x12d: {  	[sflag:s10] =	ssyncset.done $0x0  }
0x12e: {  	s14 =	smul.u32 $0x14000, s1;
	s15 =	simm.s32 $0x11800;
	[sflag:s10] =	ssyncadd.s32 $0xFFFFC000  }
0x12f: {  	[tilespmem:s30], [sflag:$0x2] =	stream.indirect.gather [hbm4b:s2+s5], $0x80, s15, s5, $0xb8;
	[tilespmem:$0x1F680] =	vst v63  }
0x130: {  	s11 =	sshrl.u32 s14, $0x3;
	_ =	swait.ge [sflag:s6], $0x4000  }
0x131: {  	s16 =	sadd.s32 $0x800, s11;
	[sflag:s6] =	ssyncset.done $0x0  }
0x132: {  	s17 =	sadd.s32 s4, s16;
	[sflag:s6] =	ssyncadd.s32 $0xFFFFC000  }
0x133: {  	[hbm4b:s17+s9] =	stream.linear.scatter [tilespmem:s30], [sflag:$0x1], $0x4000, $0x38;
	[tilespmem:$0x1F680] =	vst v63  }
0x134: {  	_ =	swait.ge [sflag:s10], $0x4000  }
0x135: {  	[sflag:s10] =	ssyncset.done $0x0  }
0x136: {  	s18 =	simm.s32 $0x11A80;
	[sflag:s10] =	ssyncadd.s32 $0xFFFFC000  }
0x137: {  	[tilespmem:s8], [sflag:$0x2] =	stream.indirect.gather [hbm4b:s2+s5], $0x80, s18, s5, $0xb8;
	[tilespmem:$0x1F680] =	vst v63  }
0x138: {  	_ =	swait.ge [sflag:s6], $0x4000  }
0x139: {  	[sflag:s6] =	ssyncset.done $0x0  }
0x13a: {  	s12 =	sadd.s32 s3, s16;
	[sflag:s6] =	ssyncadd.s32 $0xFFFFC000  }
0x13b: {  	[hbm4b:s12+s9] =	stream.linear.scatter [tilespmem:s8], [sflag:$0x1], $0x4000, $0x38;
	[tilespmem:$0x1F680] =	vst v63  }
0x13c: {  	_ =	swait.ge [sflag:s10], $0x4000  }
0x13d: {  	[sflag:s10] =	ssyncset.done $0x0  }
0x13e: {  	s19 =	simm.s32 $0x11880;
	[sflag:s10] =	ssyncadd.s32 $0xFFFFC000  }
0x13f: {  	[tilespmem:s30], [sflag:$0x2] =	stream.indirect.gather [hbm4b:s2+s5], $0x80, s19, s5, $0xb8;
	[tilespmem:$0x1F680] =	vst v63  }
0x140: {  	_ =	swait.ge [sflag:s6], $0x4000  }
0x141: {  	s20 =	sadd.s32 $0x1000, s11;
	[sflag:s6] =	ssyncset.done $0x0  }
0x142: {  	s21 =	sadd.s32 s4, s20;
	[sflag:s6] =	ssyncadd.s32 $0xFFFFC000  }
0x143: {  	[hbm4b:s21+s9] =	stream.linear.scatter [tilespmem:s30], [sflag:$0x1], $0x4000, $0x38;
	[tilespmem:$0x1F680] =	vst v63  }
0x144: {  	_ =	swait.ge [sflag:s10], $0x4000  }
0x145: {  	[sflag:s10] =	ssyncset.done $0x0  }
0x146: {  	s22 =	simm.s32 $0x11B00;
	[sflag:s10] =	ssyncadd.s32 $0xFFFFC000  }
0x147: {  	[tilespmem:s8], [sflag:$0x2] =	stream.indirect.gather [hbm4b:s2+s5], $0x80, s22, s5, $0xb8;
	[tilespmem:$0x1F680] =	vst v63  }
0x148: {  	_ =	swait.ge [sflag:s6], $0x4000  }
0x149: {  	[sflag:s6] =	ssyncset.done $0x0  }
0x14a: {  	s12 =	sadd.s32 s3, s20;
	[sflag:s6] =	ssyncadd.s32 $0xFFFFC000  }
0x14b: {  	[hbm4b:s12+s9] =	stream.linear.scatter [tilespmem:s8], [sflag:$0x1], $0x4000, $0x38;
	[tilespmem:$0x1F680] =	vst v63  }
0x14c: {  	_ =	swait.ge [sflag:s10], $0x4000  }
0x14d: {  	[sflag:s10] =	ssyncset.done $0x0  }
0x14e: {  	s23 =	simm.s32 $0x11900;
	[sflag:s10] =	ssyncadd.s32 $0xFFFFC000  }
0x14f: {  	[tilespmem:s30], [sflag:$0x2] =	stream.indirect.gather [hbm4b:s2+s5], $0x80, s23, s5, $0xb8;
	[tilespmem:$0x1F680] =	vst v63  }
0x150: {  	_ =	swait.ge [sflag:s6], $0x4000  }
0x151: {  	s24 =	sadd.s32 $0x1800, s11;
	[sflag:s6] =	ssyncset.done $0x0  }
0x152: {  	s25 =	sadd.s32 s4, s24;
	[sflag:s6] =	ssyncadd.s32 $0xFFFFC000  }
0x153: {  	[hbm4b:s25+s9] =	stream.linear.scatter [tilespmem:s30], [sflag:$0x1], $0x4000, $0x38;
	[tilespmem:$0x1F680] =	vst v63  }
0x154: {  	_ =	swait.ge [sflag:s10], $0x4000  }
0x155: {  	[sflag:s10] =	ssyncset.done $0x0  }
0x156: {  	s26 =	simm.s32 $0x11B80;
	[sflag:s10] =	ssyncadd.s32 $0xFFFFC000  }
0x157: {  	[tilespmem:s8], [sflag:$0x2] =	stream.indirect.gather [hbm4b:s2+s5], $0x80, s26, s5, $0xb8;
	[tilespmem:$0x1F680] =	vst v63  }
0x158: {  	_ =	swait.ge [sflag:s6], $0x4000  }
0x159: {  	[sflag:s6] =	ssyncset.done $0x0  }
0x15a: {  	s12 =	sadd.s32 s3, s24;
	[sflag:s6] =	ssyncadd.s32 $0xFFFFC000  }
0x15b: {  	[hbm4b:s12+s9] =	stream.linear.scatter [tilespmem:s8], [sflag:$0x1], $0x4000, $0x38;
	[tilespmem:$0x1F680] =	vst v63  }
0x15c: {  	_ =	swait.ge [sflag:s10], $0x4000  }
0x15d: {  	[sflag:s10] =	ssyncset.done $0x0  }
0x15e: {  	s28 =	simm.s32 $0x11980;
	[sflag:s10] =	ssyncadd.s32 $0xFFFFC000  }
0x15f: {  	[tilespmem:s30], [sflag:$0x2] =	stream.indirect.gather [hbm4b:s2+s5], $0x80, s28, s5, $0xb8;
	[tilespmem:$0x1F680] =	vst v63  }
0x160: {  	_ =	swait.ge [sflag:s6], $0x4000  }
0x161: {  	s11 =	sadd.s32 $0x2000, s11;
	[sflag:s6] =	ssyncset.done $0x0  }
0x162: {  	s29 =	sadd.s32 s4, s11;
	[sflag:s6] =	ssyncadd.s32 $0xFFFFC000  }
0x163: {  	[hbm4b:s29+s9] =	stream.linear.scatter [tilespmem:s30], [sflag:$0x1], $0x4000, $0x38;
	[tilespmem:$0x1F680] =	vst v63  }
0x164: {  	_ =	swait.ge [sflag:s10], $0x4000  }
0x165: {  	[sflag:s10] =	ssyncset.done $0x0  }
0x166: {  	s30 =	simm.s32 $0x11C00;
	[sflag:s10] =	ssyncadd.s32 $0xFFFFC000  }
0x167: {  	[tilespmem:s8], [sflag:$0x2] =	stream.indirect.gather [hbm4b:s2+s5], $0x80, s30, s5, $0xb8;
	[tilespmem:$0x1F680] =	vst v63  }
0x168: {  	_ =	swait.ge [sflag:s6], $0x4000  }
0x169: {  	[sflag:s6] =	ssyncset.done $0x0  }
0x16a: {  	s31 =	sadd.s32 s3, s11;
	[sflag:s6] =	ssyncadd.s32 $0xFFFFC000  }
0x16b: {  	[hbm4b:s31+s9] =	stream.linear.scatter [tilespmem:s8], [sflag:$0x1], $0x4000, $0x38;
	[tilespmem:$0x1F680] =	vst v63  }
0x16c: {  	_ =	swait.ge [sflag:s10], $0x4000  }
0x16d: {  	[sflag:s10] =	ssyncset.done $0x0  }
0x16e: {  	[sflag:s10] =	ssyncadd.s32 $0xFFFFC000  }
0x16f: {  	_ =	swait.ge [sflag:s10], $0x4000  }
0x170: {  	[sflag:s10] =	ssyncset.done $0x0  }
0x171: {  	[sflag:s10] =	ssyncadd.s32 $0xFFFFC000  }
0x172: {  	_ =	sfence.sel $0x180000  }
0x173: {  	[bflag:$0x0] =	sbarrier.arrive $0xFFFF  }
0x174: {  	p0 =	sne.s32 s1, $0x0;
	_ =	strace $0x90000047  }
0x175: {  	s0 =	sadd.s32 @!p0 $0x100000, s0;
	[bflag:$0x2] =	sbarrier.arrive $0xFFFF  }
0x176: {  	[sflag:s0] =	ssyncadd.tile.s32 @!p0 $0x1;
	_ =	shalt  }
.Lfunc_end2:
_tile_overlayer_lowered:
.L_overlay_start_2:
0x177: {  	(tag) =	ssettag $0x2  }
0x178: {  	s0 =	rddreg [dreg:$0x0];
	s2 =	stileid.u32  }
0x179: {  	s1 =	rddreg [dreg:$0x1];
	p0 =	sne.s32 s2, $0x0  }
0x17a: {  	s3 =	rddreg [dreg:$0x2];
	[bflag:$0x3] =	sbarrier.arrive $0xFFFF;
	s2 =	simm.s32 @!p0 $0x1C04  }
0x17b: {  	[timem:s3], [sflag:s2] =	dma.local @!p0 [hbm:s0], s1  }
0x17c: {  	s0 =	simm.s32 @!p0 $0x4  }
0x17d: {  	_ =	swait.ge @!p0 [sflag:s0], s1  }
0x17e: {  	s1 =	ssub.s32 @!p0 $0x0, s1;
	[sflag:s0] =	ssyncset.done @!p0 $0x0  }
0x17f: {  	[sflag:s0] =	ssyncadd.s32 @!p0 s1  }
0x180: {  	[bflag:$0x3] =	sbarrier.arrive $0xFFFF  }
0x181: {  	_ =	shalt  }

</sc_bundles>
